<compile_context>
chip_gen: v7x
topology: tpu7x:2x2x1
jax: 0.10.2.dev20260603
libtpu: 0.0.44.dev20260713+nightly
codegen_flags: <defaults>
</compile_context>

<pallas_src>
import functools

import jax
import jax.numpy as jnp
from jax import lax
from jax.experimental import pallas as pl
from jax.experimental.pallas import tpu as pltpu
from jax.experimental.pallas import tpu_sc as plsc

_CHUNK = 128
_NBUF = 5


@functools.lru_cache(maxsize=None)
def _make_sc_embed(N, T, V, D):
    info = plsc.get_sparse_core_info()
    NC, NS = info.num_cores, info.num_subcores
    NW = NC * NS
    assert N % (NW * _CHUNK) == 0
    rows_per_w = N // NW
    n_chunks = rows_per_w // _CHUNK
    assert n_chunks % _NBUF == 0
    n_groups = n_chunks // _NBUF
    assert rows_per_w % T == 0
    mesh = plsc.VectorSubcoreMesh(core_axis_name="c", subcore_axis_name="s")

    @functools.partial(
        pl.kernel,
        mesh=mesh,
        out_type=jax.ShapeDtypeStruct((N, D), jnp.float32),
        scratch_types=[
            pltpu.VMEM((n_chunks, _CHUNK), jnp.int32),
            pltpu.VMEM((_NBUF * _CHUNK, D), jnp.float32),
            pltpu.VMEM_SHARED((2 * T, D), jnp.float32),
        ]
        + [pltpu.SemaphoreType.DMA] * (3 * _NBUF),
    )
    def k(x2_hbm, table_hbm, pe_hbm, out_hbm, idx2d, dest, pe2_sh, *sems):
        gs = sems[:_NBUF]
        ws = sems[_NBUF : 2 * _NBUF]
        isems = sems[2 * _NBUF :]
        wid = lax.axis_index("s") * NC + lax.axis_index("c")

        pltpu.sync_copy(x2_hbm.at[pl.ds(wid * n_chunks, n_chunks)], idx2d)

        @pl.when(lax.axis_index("s") == 0)
        def _init_pe():
            pltpu.sync_copy(pe_hbm, pe2_sh.at[pl.ds(0, T)])
            pltpu.sync_copy(pe_hbm, pe2_sh.at[pl.ds(T, T)])

        plsc.subcore_barrier()

        def dslice(b):
            return dest.at[pl.ds(b * _CHUNK, _CHUNK)]

        def out_slice(cid):
            return out_hbm.at[pl.ds((wid * n_chunks + cid) * _CHUNK, _CHUNK)]

        def fire_init(cid, b):
            off = lax.rem(cid * _CHUNK, T)
            pltpu.async_copy(pe2_sh.at[pl.ds(off, _CHUNK)], dslice(b), isems[b])

        def wait_init(b):
            pltpu.make_async_copy(
                pe2_sh.at[pl.ds(0, _CHUNK)], dslice(b), isems[b]
            ).wait()

        fire_init(0, 0)

        def group(g, carry):
            descs = {}
            for b in range(_NBUF):
                cid = g * _NBUF + b
                pb = (b - 2) % _NBUF
                nb = (b + 1) % _NBUF

                wait_init(b)
                descs[b] = pltpu.async_copy(
                    table_hbm.at[idx2d.at[cid]], dslice(b), gs[b], add=True
                )

                def _reclaim_and_init(cid=cid, nb=nb):
                    pltpu.make_async_copy(
                        dslice(nb), out_slice(cid + 1 - _NBUF), ws[nb]
                    ).wait()
                    fire_init(cid + 1, nb)

                if b == _NBUF - 1:
                    @pl.when(g + 1 < n_groups)
                    def _rc_last(cid=cid, nb=nb):
                        _reclaim_and_init(cid, nb)

                else:

                    @pl.when(g > 0)
                    def _rc(cid=cid, nb=nb):
                        _reclaim_and_init(cid, nb)

                    @pl.when(g == 0)
                    def _first(cid=cid, nb=nb):
                        fire_init(cid + 1, nb)

                if b > 1:
                    descs[b - 2].wait()
                    pltpu.async_copy(dslice(pb), out_slice(cid - 2), ws[pb])
                else:

                    @pl.when(g > 0)
                    def _prev(cid=cid, pb=pb):
                        pltpu.make_async_copy(
                            table_hbm.at[idx2d.at[cid - 2]], dslice(pb), gs[pb]
                        ).wait()
                        pltpu.async_copy(dslice(pb), out_slice(cid - 2), ws[pb])

            return carry

        lax.fori_loop(0, n_groups, group, 0)

        for cid in (n_chunks - 2, n_chunks - 1):
            b = cid % _NBUF
            pltpu.make_async_copy(
                table_hbm.at[idx2d.at[cid]], dslice(b), gs[b]
            ).wait()
            pltpu.async_copy(dslice(b), out_slice(cid), ws[b])
        for b in range(_NBUF):
            pltpu.make_async_copy(
                dslice(b), out_slice(n_chunks - _NBUF + b), ws[b]
            ).wait()

    return k


def kernel(x, table, pe):
    B, T = x.shape
    V, D = table.shape
    f = _make_sc_embed(B * T, T, V, D)
    x2 = x.reshape(B * T // _CHUNK, _CHUNK).astype(jnp.int32)
    out = f(x2, table, pe.reshape(T, D))
    return out.reshape(B, T, D)

# --- scband reference (transcript-rebuilt; emitter-appended) ---
"""Pipeline reference for scband-position-embedding-10282151706688 (READ-ONLY COPY).

The authoritative reference and input builder live on the scoring server;
editing this copy changes nothing except your own understanding.
"""

import jax, jax.numpy as jnp
import numpy as np

MAX_LEN = 200
EMB_DIM = 128
N_VOCAB = 100000
BATCH = 4096

def _make_pe(max_len, emb_dim):
    pos = np.expand_dims(np.arange(max_len), 1)
    pe = pos / np.power(1000, 2 * np.expand_dims(np.arange(emb_dim) // 2, 0) / emb_dim)
    pe[:, 0::2] = np.sin(pe[:, 0::2])
    pe[:, 1::2] = np.cos(pe[:, 1::2])
    pe = np.expand_dims(pe, 0)
    return jnp.asarray(pe, dtype=jnp.float32)


def setup_inputs(seed: int = 0) -> dict:
    key = jax.random.key(seed)
    k1, k2 = jax.random.split(key)
    x = jax.random.randint(k1, (BATCH, MAX_LEN), 0, N_VOCAB, dtype=jnp.int64 if jax.config.jax_enable_x64 else jnp.int32)
    # embedding table ~ N(0, 0.1) as in torch init
    table = jax.random.normal(k2, (N_VOCAB, EMB_DIM), dtype=jnp.float32) * 0.1
    pe = _make_pe(MAX_LEN, EMB_DIM)
    return {"x": x, "table": table, "pe": pe}


def reference(x, table, pe):
    # embedding lookup (gather) + broadcast positional encoding add
    x_embed = jnp.take(table, x, axis=0) + pe
    return x_embed

if __name__ == "__main__":
    import jax
    _d = setup_inputs()
    print(jax.jit(kernel)(*tuple(_d.values())))

</pallas_src>

<mosaic_0001>
#map = affine_map<(d0, d1) -> (0, 0)>
module attributes {stable_mosaic.version = 14 : i64} {
  func.func @k(%arg0: i32, %arg1: i32, %arg2: memref<6400x128xi32, #tpu.memory_space<hbm>>, %arg3: memref<100000x128xf32, #tpu.memory_space<hbm>>, %arg4: memref<200x128xf32, #tpu.memory_space<hbm>>, %arg5: memref<819200x128xf32, #tpu.memory_space<hbm>>, %arg6: memref<200x128xi32, #tpu.memory_space<vmem>>, %arg7: memref<640x128xf32, #tpu.memory_space<vmem>>, %arg8: memref<400x128xf32, #tpu.memory_space<vmem_shared>>, %arg9: memref<!tpu.dma_semaphore, #tpu.memory_space<semaphore_mem>>, %arg10: memref<!tpu.dma_semaphore, #tpu.memory_space<semaphore_mem>>, %arg11: memref<!tpu.dma_semaphore, #tpu.memory_space<semaphore_mem>>, %arg12: memref<!tpu.dma_semaphore, #tpu.memory_space<semaphore_mem>>, %arg13: memref<!tpu.dma_semaphore, #tpu.memory_space<semaphore_mem>>, %arg14: memref<!tpu.dma_semaphore, #tpu.memory_space<semaphore_mem>>, %arg15: memref<!tpu.dma_semaphore, #tpu.memory_space<semaphore_mem>>, %arg16: memref<!tpu.dma_semaphore, #tpu.memory_space<semaphore_mem>>, %arg17: memref<!tpu.dma_semaphore, #tpu.memory_space<semaphore_mem>>, %arg18: memref<!tpu.dma_semaphore, #tpu.memory_space<semaphore_mem>>, %arg19: memref<!tpu.dma_semaphore, #tpu.memory_space<semaphore_mem>>, %arg20: memref<!tpu.dma_semaphore, #tpu.memory_space<semaphore_mem>>, %arg21: memref<!tpu.dma_semaphore, #tpu.memory_space<semaphore_mem>>, %arg22: memref<!tpu.dma_semaphore, #tpu.memory_space<semaphore_mem>>, %arg23: memref<!tpu.dma_semaphore, #tpu.memory_space<semaphore_mem>>) attributes {dimension_semantics = [#tpu.dimension_semantics<core_parallel>, #tpu.dimension_semantics<subcore_parallel>], iteration_bounds = array<i64: 2, 16>, scalar_prefetch = 0 : i64, scratch_operands = 18 : i64, tpu.core_type = #tpu.core_type<sc_vector_subcore>, window_params = [{transform_indices = #map}, {transform_indices = #map}, {transform_indices = #map}, {transform_indices = #map}]} {
    %mul3A = arith.constant 2 : i32
    %mul3A_0 = arith.muli %arg1, %mul3A : i32
    %add3A = arith.addi %mul3A_0, %arg0 : i32
    %mul3A_1 = arith.constant 200 : i32
    %mul3A_2 = arith.muli %add3A, %mul3A_1 : i32
    "tpu.region"() ({
      %run_scoped3A = tpu.sem_alloc : memref<!tpu.dma_semaphore, #tpu.memory_space<semaphore_mem>>
      %dma_start3A_152 = arith.constant 0 : i32
      %dma_start3A_153 = tpu.memref_slice %arg2[%mul3A_2, %dma_start3A_152] : memref<6400x128xi32, #tpu.memory_space<hbm>> -> memref<200x128xi32, #tpu.memory_space<hbm>>
      %dma_start3A_154 = arith.constant 0 : i32
      %dma_start3A_155 = tpu.memref_slice %arg2[%mul3A_2, %dma_start3A_154] : memref<6400x128xi32, #tpu.memory_space<hbm>> -> memref<200x128xi32, #tpu.memory_space<hbm>>
      tpu.enqueue_dma source(%dma_start3A_155 : memref<200x128xi32, #tpu.memory_space<hbm>>) target(%arg6 : memref<200x128xi32, #tpu.memory_space<vmem>>) target_semaphore(%run_scoped3A : memref<!tpu.dma_semaphore, #tpu.memory_space<semaphore_mem>>)
      %dma_wait3A_156 = arith.constant 0 : i32
      %dma_wait3A_157 = tpu.memref_slice %arg2[%mul3A_2, %dma_wait3A_156] : memref<6400x128xi32, #tpu.memory_space<hbm>> -> memref<200x128xi32, #tpu.memory_space<hbm>>
      %dma_wait3A_158 = arith.constant 0 : i32
      %dma_wait3A_159 = tpu.memref_slice %arg2[%mul3A_2, %dma_wait3A_158] : memref<6400x128xi32, #tpu.memory_space<hbm>> -> memref<200x128xi32, #tpu.memory_space<hbm>>
      tpu.wait_dma2 semaphore(%run_scoped3A : memref<!tpu.dma_semaphore, #tpu.memory_space<semaphore_mem>>) src(%dma_wait3A_159 : memref<200x128xi32, #tpu.memory_space<hbm>>) dst(%arg6 : memref<200x128xi32, #tpu.memory_space<vmem>>)
      tpu.yield
    }) : () -> ()
    %eq3A = arith.constant 0 : i32
    %eq3A_3 = arith.cmpi eq, %arg1, %eq3A : i32
    %convert_element_type3A = arith.extui %eq3A_3 : i1 to i32
    %cond3A = arith.constant 0 : i32
    %cond3A_4 = arith.cmpi ne, %convert_element_type3A, %cond3A : i32
    scf.if %cond3A_4 {
      "tpu.region"() ({
        %run_scoped3A = tpu.sem_alloc : memref<!tpu.dma_semaphore, #tpu.memory_space<semaphore_mem>>
        %dma_start3A_152 = arith.constant 0 : i32
        %dma_start3A_153 = arith.constant 0 : i32
        %dma_start3A_154 = tpu.memref_slice %arg8[%dma_start3A_152, %dma_start3A_153] : memref<400x128xf32, #tpu.memory_space<vmem_shared>> -> memref<200x128xf32, #tpu.memory_space<vmem_shared>>
        tpu.enqueue_dma source(%arg4 : memref<200x128xf32, #tpu.memory_space<hbm>>) target(%dma_start3A_154 : memref<200x128xf32, #tpu.memory_space<vmem_shared>>) target_semaphore(%run_scoped3A : memref<!tpu.dma_semaphore, #tpu.memory_space<semaphore_mem>>)
        %dma_wait3A_155 = arith.constant 0 : i32
        %dma_wait3A_156 = arith.constant 0 : i32
        %dma_wait3A_157 = tpu.memref_slice %arg8[%dma_wait3A_155, %dma_wait3A_156] : memref<400x128xf32, #tpu.memory_space<vmem_shared>> -> memref<200x128xf32, #tpu.memory_space<vmem_shared>>
        tpu.wait_dma2 semaphore(%run_scoped3A : memref<!tpu.dma_semaphore, #tpu.memory_space<semaphore_mem>>) src(%arg4 : memref<200x128xf32, #tpu.memory_space<hbm>>) dst(%dma_wait3A_157 : memref<200x128xf32, #tpu.memory_space<vmem_shared>>)
        tpu.yield
      }) : () -> ()
      "tpu.region"() ({
        %run_scoped3A = tpu.sem_alloc : memref<!tpu.dma_semaphore, #tpu.memory_space<semaphore_mem>>
        %dma_start3A_152 = arith.constant 200 : i32
        %dma_start3A_153 = arith.constant 0 : i32
        %dma_start3A_154 = tpu.memref_slice %arg8[%dma_start3A_152, %dma_start3A_153] : memref<400x128xf32, #tpu.memory_space<vmem_shared>> -> memref<200x128xf32, #tpu.memory_space<vmem_shared>>
        tpu.enqueue_dma source(%arg4 : memref<200x128xf32, #tpu.memory_space<hbm>>) target(%dma_start3A_154 : memref<200x128xf32, #tpu.memory_space<vmem_shared>>) target_semaphore(%run_scoped3A : memref<!tpu.dma_semaphore, #tpu.memory_space<semaphore_mem>>)
        %dma_wait3A_155 = arith.constant 200 : i32
        %dma_wait3A_156 = arith.constant 0 : i32
        %dma_wait3A_157 = tpu.memref_slice %arg8[%dma_wait3A_155, %dma_wait3A_156] : memref<400x128xf32, #tpu.memory_space<vmem_shared>> -> memref<200x128xf32, #tpu.memory_space<vmem_shared>>
        tpu.wait_dma2 semaphore(%run_scoped3A : memref<!tpu.dma_semaphore, #tpu.memory_space<semaphore_mem>>) src(%arg4 : memref<200x128xf32, #tpu.memory_space<hbm>>) dst(%dma_wait3A_157 : memref<200x128xf32, #tpu.memory_space<vmem_shared>>)
        tpu.yield
      }) : () -> ()
    } else {
    }
    %barrier3A = arith.constant 0 : index
    tpu.barrier barrier_id(%barrier3A)
    %rem3A = arith.constant 0 : i32
    %rem3A_5 = arith.constant 200 : i32
    %rem3A_6 = arith.remsi %rem3A, %rem3A_5 : i32
    %dma_start3A = arith.constant 0 : i32
    %dma_start3A_7 = arith.constant 0 : i32
    %dma_start3A_8 = tpu.memref_slice %arg7[%dma_start3A, %dma_start3A_7] : memref<640x128xf32, #tpu.memory_space<vmem>> -> memref<128x128xf32, #tpu.memory_space<vmem>>
    %dma_start3A_9 = arith.constant 0 : i32
    %dma_start3A_10 = tpu.memref_slice %arg8[%rem3A_6, %dma_start3A_9] : memref<400x128xf32, #tpu.memory_space<vmem_shared>> -> memref<128x128xf32, #tpu.memory_space<vmem_shared>>
    %dma_start3A_11 = arith.constant 0 : i32
    %dma_start3A_12 = arith.constant 0 : i32
    %dma_start3A_13 = tpu.memref_slice %arg7[%dma_start3A_11, %dma_start3A_12] : memref<640x128xf32, #tpu.memory_space<vmem>> -> memref<128x128xf32, #tpu.memory_space<vmem>>
    %dma_start3A_14 = arith.constant 0 : i32
    %dma_start3A_15 = tpu.memref_slice %arg8[%rem3A_6, %dma_start3A_14] : memref<400x128xf32, #tpu.memory_space<vmem_shared>> -> memref<128x128xf32, #tpu.memory_space<vmem_shared>>
    tpu.enqueue_dma source(%dma_start3A_15 : memref<128x128xf32, #tpu.memory_space<vmem_shared>>) target(%dma_start3A_13 : memref<128x128xf32, #tpu.memory_space<vmem>>) target_semaphore(%arg19 : memref<!tpu.dma_semaphore, #tpu.memory_space<semaphore_mem>>)
    %scan3A = arith.constant 0 : i32
    %scan3A_16 = arith.constant 0 : i32
    %scan3A_17 = arith.constant 40 : i32
    %scan3A_18 = arith.addi %scan3A_16, %scan3A_17 : i32
    %scan3A_19 = arith.constant 1 : i32
    scf.for %scan3A_152 = %scan3A_16 to %scan3A_18 step %scan3A_19  : i32 {
      %mul3A_153 = arith.constant 5 : i32
      %mul3A_154 = arith.muli %scan3A_152, %mul3A_153 : i32
      %add3A_155 = arith.constant 0 : i32
      %add3A_156 = arith.addi %mul3A_154, %add3A_155 : i32
      %dma_wait3A_157 = arith.constant 0 : i32
      %dma_wait3A_158 = arith.constant 0 : i32
      %dma_wait3A_159 = tpu.memref_slice %arg7[%dma_wait3A_157, %dma_wait3A_158] : memref<640x128xf32, #tpu.memory_space<vmem>> -> memref<128x128xf32, #tpu.memory_space<vmem>>
      %dma_wait3A_160 = arith.constant 0 : i32
      %dma_wait3A_161 = arith.constant 0 : i32
      %dma_wait3A_162 = tpu.memref_slice %arg8[%dma_wait3A_160, %dma_wait3A_161] : memref<400x128xf32, #tpu.memory_space<vmem_shared>> -> memref<128x128xf32, #tpu.memory_space<vmem_shared>>
      %dma_wait3A_163 = arith.constant 0 : i32
      %dma_wait3A_164 = arith.constant 0 : i32
      %dma_wait3A_165 = tpu.memref_slice %arg7[%dma_wait3A_163, %dma_wait3A_164] : memref<640x128xf32, #tpu.memory_space<vmem>> -> memref<128x128xf32, #tpu.memory_space<vmem>>
      %dma_wait3A_166 = arith.constant 0 : i32
      %dma_wait3A_167 = arith.constant 0 : i32
      %dma_wait3A_168 = tpu.memref_slice %arg8[%dma_wait3A_166, %dma_wait3A_167] : memref<400x128xf32, #tpu.memory_space<vmem_shared>> -> memref<128x128xf32, #tpu.memory_space<vmem_shared>>
      tpu.wait_dma2 semaphore(%arg19 : memref<!tpu.dma_semaphore, #tpu.memory_space<semaphore_mem>>) src(%dma_wait3A_168 : memref<128x128xf32, #tpu.memory_space<vmem_shared>>) dst(%dma_wait3A_165 : memref<128x128xf32, #tpu.memory_space<vmem>>)
      %dma_start3A_169 = arith.constant 0 : i32
      %dma_start3A_170 = arith.constant 0 : i32
      %dma_start3A_171 = tpu.memref_slice %arg7[%dma_start3A_169, %dma_start3A_170] : memref<640x128xf32, #tpu.memory_space<vmem>> -> memref<128x128xf32, #tpu.memory_space<vmem>>
      %dma_start3A_172 = arith.constant 0 : i32
      %dma_start3A_173 = tpu.memref_slice %arg6[%add3A_156, %dma_start3A_172] : memref<200x128xi32, #tpu.memory_space<vmem>> -> memref<1x128xi32, #tpu.memory_space<vmem>>
      %dma_start3A_174 = tpu.memref_squeeze %dma_start3A_173 : memref<1x128xi32, #tpu.memory_space<vmem>> -> memref<128xi32, #tpu.memory_space<vmem>>
      %dma_start3A_175 = arith.constant 0 : i32
      %dma_start3A_176 = arith.constant 0 : i32
      %dma_start3A_177 = tpu.memref_slice %arg3[%dma_start3A_175, %dma_start3A_176] : memref<100000x128xf32, #tpu.memory_space<hbm>> -> memref<100000x128xf32, #tpu.memory_space<hbm>>
      tpu.enqueue_indirect_dma source(%dma_start3A_177 : memref<100000x128xf32, #tpu.memory_space<hbm>>) target(%dma_start3A_171 : memref<128x128xf32, #tpu.memory_space<vmem>>) offsets(%dma_start3A_174 : memref<128xi32, #tpu.memory_space<vmem>>) semaphore(%arg9 : memref<!tpu.dma_semaphore, #tpu.memory_space<semaphore_mem>>) {add = true}
      %gt3A = arith.constant 0 : i32
      %gt3A_178 = arith.cmpi sgt, %scan3A_152, %gt3A : i32
      %convert_element_type3A_179 = arith.extui %gt3A_178 : i1 to i32
      %cond3A_180 = arith.constant 0 : i32
      %cond3A_181 = arith.cmpi ne, %convert_element_type3A_179, %cond3A_180 : i32
      scf.if %cond3A_181 {
        %add3A_410 = arith.constant 1 : i32
        %add3A_411 = arith.addi %add3A_156, %add3A_410 : i32
        %sub3A_412 = arith.constant 5 : i32
        %sub3A_413 = arith.subi %add3A_411, %sub3A_412 : i32
        %mul3A_414 = arith.constant 200 : i32
        %mul3A_415 = arith.muli %add3A, %mul3A_414 : i32
        %add3A_416 = arith.addi %mul3A_415, %sub3A_413 : i32
        %mul3A_417 = arith.constant 128 : i32
        %mul3A_418 = arith.muli %add3A_416, %mul3A_417 : i32
        %dma_wait3A_419 = arith.constant 128 : i32
        %dma_wait3A_420 = arith.constant 0 : i32
        %dma_wait3A_421 = tpu.memref_slice %arg7[%dma_wait3A_419, %dma_wait3A_420] : memref<640x128xf32, #tpu.memory_space<vmem>> -> memref<128x128xf32, #tpu.memory_space<vmem>>
        %dma_wait3A_422 = arith.constant 0 : i32
        %dma_wait3A_423 = tpu.memref_slice %arg5[%mul3A_418, %dma_wait3A_422] : memref<819200x128xf32, #tpu.memory_space<hbm>> -> memref<128x128xf32, #tpu.memory_space<hbm>>
        %dma_wait3A_424 = arith.constant 0 : i32
        %dma_wait3A_425 = tpu.memref_slice %arg5[%mul3A_418, %dma_wait3A_424] : memref<819200x128xf32, #tpu.memory_space<hbm>> -> memref<128x128xf32, #tpu.memory_space<hbm>>
        %dma_wait3A_426 = arith.constant 128 : i32
        %dma_wait3A_427 = arith.constant 0 : i32
        %dma_wait3A_428 = tpu.memref_slice %arg7[%dma_wait3A_426, %dma_wait3A_427] : memref<640x128xf32, #tpu.memory_space<vmem>> -> memref<128x128xf32, #tpu.memory_space<vmem>>
        tpu.wait_dma2 semaphore(%arg15 : memref<!tpu.dma_semaphore, #tpu.memory_space<semaphore_mem>>) src(%dma_wait3A_428 : memref<128x128xf32, #tpu.memory_space<vmem>>) dst(%dma_wait3A_425 : memref<128x128xf32, #tpu.memory_space<hbm>>)
        %add3A_429 = arith.constant 1 : i32
        %add3A_430 = arith.addi %add3A_156, %add3A_429 : i32
        %mul3A_431 = arith.constant 128 : i32
        %mul3A_432 = arith.muli %add3A_430, %mul3A_431 : i32
        %rem3A_433 = arith.constant 200 : i32
        %rem3A_434 = arith.remsi %mul3A_432, %rem3A_433 : i32
        %dma_start3A_435 = arith.constant 128 : i32
        %dma_start3A_436 = arith.constant 0 : i32
        %dma_start3A_437 = tpu.memref_slice %arg7[%dma_start3A_435, %dma_start3A_436] : memref<640x128xf32, #tpu.memory_space<vmem>> -> memref<128x128xf32, #tpu.memory_space<vmem>>
        %dma_start3A_438 = arith.constant 0 : i32
        %dma_start3A_439 = tpu.memref_slice %arg8[%rem3A_434, %dma_start3A_438] : memref<400x128xf32, #tpu.memory_space<vmem_shared>> -> memref<128x128xf32, #tpu.memory_space<vmem_shared>>
        %dma_start3A_440 = arith.constant 128 : i32
        %dma_start3A_441 = arith.constant 0 : i32
        %dma_start3A_442 = tpu.memref_slice %arg7[%dma_start3A_440, %dma_start3A_441] : memref<640x128xf32, #tpu.memory_space<vmem>> -> memref<128x128xf32, #tpu.memory_space<vmem>>
        %dma_start3A_443 = arith.constant 0 : i32
        %dma_start3A_444 = tpu.memref_slice %arg8[%rem3A_434, %dma_start3A_443] : memref<400x128xf32, #tpu.memory_space<vmem_shared>> -> memref<128x128xf32, #tpu.memory_space<vmem_shared>>
        tpu.enqueue_dma source(%dma_start3A_444 : memref<128x128xf32, #tpu.memory_space<vmem_shared>>) target(%dma_start3A_442 : memref<128x128xf32, #tpu.memory_space<vmem>>) target_semaphore(%arg20 : memref<!tpu.dma_semaphore, #tpu.memory_space<semaphore_mem>>)
      } else {
      }
      %eq3A_182 = arith.constant 0 : i32
      %eq3A_183 = arith.cmpi eq, %scan3A_152, %eq3A_182 : i32
      %convert_element_type3A_184 = arith.extui %eq3A_183 : i1 to i32
      %cond3A_185 = arith.constant 0 : i32
      %cond3A_186 = arith.cmpi ne, %convert_element_type3A_184, %cond3A_185 : i32
      scf.if %cond3A_186 {
        %add3A_410 = arith.constant 1 : i32
        %add3A_411 = arith.addi %add3A_156, %add3A_410 : i32
        %mul3A_412 = arith.constant 128 : i32
        %mul3A_413 = arith.muli %add3A_411, %mul3A_412 : i32
        %rem3A_414 = arith.constant 200 : i32
        %rem3A_415 = arith.remsi %mul3A_413, %rem3A_414 : i32
        %dma_start3A_416 = arith.constant 128 : i32
        %dma_start3A_417 = arith.constant 0 : i32
        %dma_start3A_418 = tpu.memref_slice %arg7[%dma_start3A_416, %dma_start3A_417] : memref<640x128xf32, #tpu.memory_space<vmem>> -> memref<128x128xf32, #tpu.memory_space<vmem>>
        %dma_start3A_419 = arith.constant 0 : i32
        %dma_start3A_420 = tpu.memref_slice %arg8[%rem3A_415, %dma_start3A_419] : memref<400x128xf32, #tpu.memory_space<vmem_shared>> -> memref<128x128xf32, #tpu.memory_space<vmem_shared>>
        %dma_start3A_421 = arith.constant 128 : i32
        %dma_start3A_422 = arith.constant 0 : i32
        %dma_start3A_423 = tpu.memref_slice %arg7[%dma_start3A_421, %dma_start3A_422] : memref<640x128xf32, #tpu.memory_space<vmem>> -> memref<128x128xf32, #tpu.memory_space<vmem>>
        %dma_start3A_424 = arith.constant 0 : i32
        %dma_start3A_425 = tpu.memref_slice %arg8[%rem3A_415, %dma_start3A_424] : memref<400x128xf32, #tpu.memory_space<vmem_shared>> -> memref<128x128xf32, #tpu.memory_space<vmem_shared>>
        tpu.enqueue_dma source(%dma_start3A_425 : memref<128x128xf32, #tpu.memory_space<vmem_shared>>) target(%dma_start3A_423 : memref<128x128xf32, #tpu.memory_space<vmem>>) target_semaphore(%arg20 : memref<!tpu.dma_semaphore, #tpu.memory_space<semaphore_mem>>)
      } else {
      }
      %gt3A_187 = arith.constant 0 : i32
      %gt3A_188 = arith.cmpi sgt, %scan3A_152, %gt3A_187 : i32
      %convert_element_type3A_189 = arith.extui %gt3A_188 : i1 to i32
      %cond3A_190 = arith.constant 0 : i32
      %cond3A_191 = arith.cmpi ne, %convert_element_type3A_189, %cond3A_190 : i32
      scf.if %cond3A_191 {
        %sub3A_410 = arith.constant 2 : i32
        %sub3A_411 = arith.subi %add3A_156, %sub3A_410 : i32
        %dma_wait3A_412 = arith.constant 384 : i32
        %dma_wait3A_413 = arith.constant 0 : i32
        %dma_wait3A_414 = tpu.memref_slice %arg7[%dma_wait3A_412, %dma_wait3A_413] : memref<640x128xf32, #tpu.memory_space<vmem>> -> memref<128x128xf32, #tpu.memory_space<vmem>>
        %dma_wait3A_415 = arith.constant 0 : i32
        %dma_wait3A_416 = tpu.memref_slice %arg6[%sub3A_411, %dma_wait3A_415] : memref<200x128xi32, #tpu.memory_space<vmem>> -> memref<1x128xi32, #tpu.memory_space<vmem>>
        %dma_wait3A_417 = tpu.memref_squeeze %dma_wait3A_416 : memref<1x128xi32, #tpu.memory_space<vmem>> -> memref<128xi32, #tpu.memory_space<vmem>>
        %dma_wait3A_418 = arith.constant 0 : i32
        %dma_wait3A_419 = arith.constant 0 : i32
        %dma_wait3A_420 = tpu.memref_slice %arg3[%dma_wait3A_418, %dma_wait3A_419] : memref<100000x128xf32, #tpu.memory_space<hbm>> -> memref<100000x128xf32, #tpu.memory_space<hbm>>
        tpu.wait_indirect_dma semaphore(%arg12 : memref<!tpu.dma_semaphore, #tpu.memory_space<semaphore_mem>>) src(%dma_wait3A_420 : memref<100000x128xf32, #tpu.memory_space<hbm>>) dst(%dma_wait3A_414 : memref<128x128xf32, #tpu.memory_space<vmem>>)
        %sub3A_421 = arith.constant 2 : i32
        %sub3A_422 = arith.subi %add3A_156, %sub3A_421 : i32
        %mul3A_423 = arith.constant 200 : i32
        %mul3A_424 = arith.muli %add3A, %mul3A_423 : i32
        %add3A_425 = arith.addi %mul3A_424, %sub3A_422 : i32
        %mul3A_426 = arith.constant 128 : i32
        %mul3A_427 = arith.muli %add3A_425, %mul3A_426 : i32
        %dma_start3A_428 = arith.constant 384 : i32
        %dma_start3A_429 = arith.constant 0 : i32
        %dma_start3A_430 = tpu.memref_slice %arg7[%dma_start3A_428, %dma_start3A_429] : memref<640x128xf32, #tpu.memory_space<vmem>> -> memref<128x128xf32, #tpu.memory_space<vmem>>
        %dma_start3A_431 = arith.constant 0 : i32
        %dma_start3A_432 = tpu.memref_slice %arg5[%mul3A_427, %dma_start3A_431] : memref<819200x128xf32, #tpu.memory_space<hbm>> -> memref<128x128xf32, #tpu.memory_space<hbm>>
        %dma_start3A_433 = arith.constant 0 : i32
        %dma_start3A_434 = tpu.memref_slice %arg5[%mul3A_427, %dma_start3A_433] : memref<819200x128xf32, #tpu.memory_space<hbm>> -> memref<128x128xf32, #tpu.memory_space<hbm>>
        %dma_start3A_435 = arith.constant 384 : i32
        %dma_start3A_436 = arith.constant 0 : i32
        %dma_start3A_437 = tpu.memref_slice %arg7[%dma_start3A_435, %dma_start3A_436] : memref<640x128xf32, #tpu.memory_space<vmem>> -> memref<128x128xf32, #tpu.memory_space<vmem>>
        tpu.enqueue_dma source(%dma_start3A_437 : memref<128x128xf32, #tpu.memory_space<vmem>>) target(%dma_start3A_434 : memref<128x128xf32, #tpu.memory_space<hbm>>) target_semaphore(%arg17 : memref<!tpu.dma_semaphore, #tpu.memory_space<semaphore_mem>>)
      } else {
      }
      %mul3A_192 = arith.constant 5 : i32
      %mul3A_193 = arith.muli %scan3A_152, %mul3A_192 : i32
      %add3A_194 = arith.constant 1 : i32
      %add3A_195 = arith.addi %mul3A_193, %add3A_194 : i32
      %dma_wait3A_196 = arith.constant 128 : i32
      %dma_wait3A_197 = arith.constant 0 : i32
      %dma_wait3A_198 = tpu.memref_slice %arg7[%dma_wait3A_196, %dma_wait3A_197] : memref<640x128xf32, #tpu.memory_space<vmem>> -> memref<128x128xf32, #tpu.memory_space<vmem>>
      %dma_wait3A_199 = arith.constant 0 : i32
      %dma_wait3A_200 = arith.constant 0 : i32
      %dma_wait3A_201 = tpu.memref_slice %arg8[%dma_wait3A_199, %dma_wait3A_200] : memref<400x128xf32, #tpu.memory_space<vmem_shared>> -> memref<128x128xf32, #tpu.memory_space<vmem_shared>>
      %dma_wait3A_202 = arith.constant 128 : i32
      %dma_wait3A_203 = arith.constant 0 : i32
      %dma_wait3A_204 = tpu.memref_slice %arg7[%dma_wait3A_202, %dma_wait3A_203] : memref<640x128xf32, #tpu.memory_space<vmem>> -> memref<128x128xf32, #tpu.memory_space<vmem>>
      %dma_wait3A_205 = arith.constant 0 : i32
      %dma_wait3A_206 = arith.constant 0 : i32
      %dma_wait3A_207 = tpu.memref_slice %arg8[%dma_wait3A_205, %dma_wait3A_206] : memref<400x128xf32, #tpu.memory_space<vmem_shared>> -> memref<128x128xf32, #tpu.memory_space<vmem_shared>>
      tpu.wait_dma2 semaphore(%arg20 : memref<!tpu.dma_semaphore, #tpu.memory_space<semaphore_mem>>) src(%dma_wait3A_207 : memref<128x128xf32, #tpu.memory_space<vmem_shared>>) dst(%dma_wait3A_204 : memref<128x128xf32, #tpu.memory_space<vmem>>)
      %dma_start3A_208 = arith.constant 128 : i32
      %dma_start3A_209 = arith.constant 0 : i32
      %dma_start3A_210 = tpu.memref_slice %arg7[%dma_start3A_208, %dma_start3A_209] : memref<640x128xf32, #tpu.memory_space<vmem>> -> memref<128x128xf32, #tpu.memory_space<vmem>>
      %dma_start3A_211 = arith.constant 0 : i32
      %dma_start3A_212 = tpu.memref_slice %arg6[%add3A_195, %dma_start3A_211] : memref<200x128xi32, #tpu.memory_space<vmem>> -> memref<1x128xi32, #tpu.memory_space<vmem>>
      %dma_start3A_213 = tpu.memref_squeeze %dma_start3A_212 : memref<1x128xi32, #tpu.memory_space<vmem>> -> memref<128xi32, #tpu.memory_space<vmem>>
      %dma_start3A_214 = arith.constant 0 : i32
      %dma_start3A_215 = arith.constant 0 : i32
      %dma_start3A_216 = tpu.memref_slice %arg3[%dma_start3A_214, %dma_start3A_215] : memref<100000x128xf32, #tpu.memory_space<hbm>> -> memref<100000x128xf32, #tpu.memory_space<hbm>>
      tpu.enqueue_indirect_dma source(%dma_start3A_216 : memref<100000x128xf32, #tpu.memory_space<hbm>>) target(%dma_start3A_210 : memref<128x128xf32, #tpu.memory_space<vmem>>) offsets(%dma_start3A_213 : memref<128xi32, #tpu.memory_space<vmem>>) semaphore(%arg10 : memref<!tpu.dma_semaphore, #tpu.memory_space<semaphore_mem>>) {add = true}
      %gt3A_217 = arith.constant 0 : i32
      %gt3A_218 = arith.cmpi sgt, %scan3A_152, %gt3A_217 : i32
      %convert_element_type3A_219 = arith.extui %gt3A_218 : i1 to i32
      %cond3A_220 = arith.constant 0 : i32
      %cond3A_221 = arith.cmpi ne, %convert_element_type3A_219, %cond3A_220 : i32
      scf.if %cond3A_221 {
        %add3A_410 = arith.constant 1 : i32
        %add3A_411 = arith.addi %add3A_195, %add3A_410 : i32
        %sub3A_412 = arith.constant 5 : i32
        %sub3A_413 = arith.subi %add3A_411, %sub3A_412 : i32
        %mul3A_414 = arith.constant 200 : i32
        %mul3A_415 = arith.muli %add3A, %mul3A_414 : i32
        %add3A_416 = arith.addi %mul3A_415, %sub3A_413 : i32
        %mul3A_417 = arith.constant 128 : i32
        %mul3A_418 = arith.muli %add3A_416, %mul3A_417 : i32
        %dma_wait3A_419 = arith.constant 256 : i32
        %dma_wait3A_420 = arith.constant 0 : i32
        %dma_wait3A_421 = tpu.memref_slice %arg7[%dma_wait3A_419, %dma_wait3A_420] : memref<640x128xf32, #tpu.memory_space<vmem>> -> memref<128x128xf32, #tpu.memory_space<vmem>>
        %dma_wait3A_422 = arith.constant 0 : i32
        %dma_wait3A_423 = tpu.memref_slice %arg5[%mul3A_418, %dma_wait3A_422] : memref<819200x128xf32, #tpu.memory_space<hbm>> -> memref<128x128xf32, #tpu.memory_space<hbm>>
        %dma_wait3A_424 = arith.constant 0 : i32
        %dma_wait3A_425 = tpu.memref_slice %arg5[%mul3A_418, %dma_wait3A_424] : memref<819200x128xf32, #tpu.memory_space<hbm>> -> memref<128x128xf32, #tpu.memory_space<hbm>>
        %dma_wait3A_426 = arith.constant 256 : i32
        %dma_wait3A_427 = arith.constant 0 : i32
        %dma_wait3A_428 = tpu.memref_slice %arg7[%dma_wait3A_426, %dma_wait3A_427] : memref<640x128xf32, #tpu.memory_space<vmem>> -> memref<128x128xf32, #tpu.memory_space<vmem>>
        tpu.wait_dma2 semaphore(%arg16 : memref<!tpu.dma_semaphore, #tpu.memory_space<semaphore_mem>>) src(%dma_wait3A_428 : memref<128x128xf32, #tpu.memory_space<vmem>>) dst(%dma_wait3A_425 : memref<128x128xf32, #tpu.memory_space<hbm>>)
        %add3A_429 = arith.constant 1 : i32
        %add3A_430 = arith.addi %add3A_195, %add3A_429 : i32
        %mul3A_431 = arith.constant 128 : i32
        %mul3A_432 = arith.muli %add3A_430, %mul3A_431 : i32
        %rem3A_433 = arith.constant 200 : i32
        %rem3A_434 = arith.remsi %mul3A_432, %rem3A_433 : i32
        %dma_start3A_435 = arith.constant 256 : i32
        %dma_start3A_436 = arith.constant 0 : i32
        %dma_start3A_437 = tpu.memref_slice %arg7[%dma_start3A_435, %dma_start3A_436] : memref<640x128xf32, #tpu.memory_space<vmem>> -> memref<128x128xf32, #tpu.memory_space<vmem>>
        %dma_start3A_438 = arith.constant 0 : i32
        %dma_start3A_439 = tpu.memref_slice %arg8[%rem3A_434, %dma_start3A_438] : memref<400x128xf32, #tpu.memory_space<vmem_shared>> -> memref<128x128xf32, #tpu.memory_space<vmem_shared>>
        %dma_start3A_440 = arith.constant 256 : i32
        %dma_start3A_441 = arith.constant 0 : i32
        %dma_start3A_442 = tpu.memref_slice %arg7[%dma_start3A_440, %dma_start3A_441] : memref<640x128xf32, #tpu.memory_space<vmem>> -> memref<128x128xf32, #tpu.memory_space<vmem>>
        %dma_start3A_443 = arith.constant 0 : i32
        %dma_start3A_444 = tpu.memref_slice %arg8[%rem3A_434, %dma_start3A_443] : memref<400x128xf32, #tpu.memory_space<vmem_shared>> -> memref<128x128xf32, #tpu.memory_space<vmem_shared>>
        tpu.enqueue_dma source(%dma_start3A_444 : memref<128x128xf32, #tpu.memory_space<vmem_shared>>) target(%dma_start3A_442 : memref<128x128xf32, #tpu.memory_space<vmem>>) target_semaphore(%arg21 : memref<!tpu.dma_semaphore, #tpu.memory_space<semaphore_mem>>)
      } else {
      }
      %eq3A_222 = arith.constant 0 : i32
      %eq3A_223 = arith.cmpi eq, %scan3A_152, %eq3A_222 : i32
      %convert_element_type3A_224 = arith.extui %eq3A_223 : i1 to i32
      %cond3A_225 = arith.constant 0 : i32
      %cond3A_226 = arith.cmpi ne, %convert_element_type3A_224, %cond3A_225 : i32
      scf.if %cond3A_226 {
        %add3A_410 = arith.constant 1 : i32
        %add3A_411 = arith.addi %add3A_195, %add3A_410 : i32
        %mul3A_412 = arith.constant 128 : i32
        %mul3A_413 = arith.muli %add3A_411, %mul3A_412 : i32
        %rem3A_414 = arith.constant 200 : i32
        %rem3A_415 = arith.remsi %mul3A_413, %rem3A_414 : i32
        %dma_start3A_416 = arith.constant 256 : i32
        %dma_start3A_417 = arith.constant 0 : i32
        %dma_start3A_418 = tpu.memref_slice %arg7[%dma_start3A_416, %dma_start3A_417] : memref<640x128xf32, #tpu.memory_space<vmem>> -> memref<128x128xf32, #tpu.memory_space<vmem>>
        %dma_start3A_419 = arith.constant 0 : i32
        %dma_start3A_420 = tpu.memref_slice %arg8[%rem3A_415, %dma_start3A_419] : memref<400x128xf32, #tpu.memory_space<vmem_shared>> -> memref<128x128xf32, #tpu.memory_space<vmem_shared>>
        %dma_start3A_421 = arith.constant 256 : i32
        %dma_start3A_422 = arith.constant 0 : i32
        %dma_start3A_423 = tpu.memref_slice %arg7[%dma_start3A_421, %dma_start3A_422] : memref<640x128xf32, #tpu.memory_space<vmem>> -> memref<128x128xf32, #tpu.memory_space<vmem>>
        %dma_start3A_424 = arith.constant 0 : i32
        %dma_start3A_425 = tpu.memref_slice %arg8[%rem3A_415, %dma_start3A_424] : memref<400x128xf32, #tpu.memory_space<vmem_shared>> -> memref<128x128xf32, #tpu.memory_space<vmem_shared>>
        tpu.enqueue_dma source(%dma_start3A_425 : memref<128x128xf32, #tpu.memory_space<vmem_shared>>) target(%dma_start3A_423 : memref<128x128xf32, #tpu.memory_space<vmem>>) target_semaphore(%arg21 : memref<!tpu.dma_semaphore, #tpu.memory_space<semaphore_mem>>)
      } else {
      }
      %gt3A_227 = arith.constant 0 : i32
      %gt3A_228 = arith.cmpi sgt, %scan3A_152, %gt3A_227 : i32
      %convert_element_type3A_229 = arith.extui %gt3A_228 : i1 to i32
      %cond3A_230 = arith.constant 0 : i32
      %cond3A_231 = arith.cmpi ne, %convert_element_type3A_229, %cond3A_230 : i32
      scf.if %cond3A_231 {
        %sub3A_410 = arith.constant 2 : i32
        %sub3A_411 = arith.subi %add3A_195, %sub3A_410 : i32
        %dma_wait3A_412 = arith.constant 512 : i32
        %dma_wait3A_413 = arith.constant 0 : i32
        %dma_wait3A_414 = tpu.memref_slice %arg7[%dma_wait3A_412, %dma_wait3A_413] : memref<640x128xf32, #tpu.memory_space<vmem>> -> memref<128x128xf32, #tpu.memory_space<vmem>>
        %dma_wait3A_415 = arith.constant 0 : i32
        %dma_wait3A_416 = tpu.memref_slice %arg6[%sub3A_411, %dma_wait3A_415] : memref<200x128xi32, #tpu.memory_space<vmem>> -> memref<1x128xi32, #tpu.memory_space<vmem>>
        %dma_wait3A_417 = tpu.memref_squeeze %dma_wait3A_416 : memref<1x128xi32, #tpu.memory_space<vmem>> -> memref<128xi32, #tpu.memory_space<vmem>>
        %dma_wait3A_418 = arith.constant 0 : i32
        %dma_wait3A_419 = arith.constant 0 : i32
        %dma_wait3A_420 = tpu.memref_slice %arg3[%dma_wait3A_418, %dma_wait3A_419] : memref<100000x128xf32, #tpu.memory_space<hbm>> -> memref<100000x128xf32, #tpu.memory_space<hbm>>
        tpu.wait_indirect_dma semaphore(%arg13 : memref<!tpu.dma_semaphore, #tpu.memory_space<semaphore_mem>>) src(%dma_wait3A_420 : memref<100000x128xf32, #tpu.memory_space<hbm>>) dst(%dma_wait3A_414 : memref<128x128xf32, #tpu.memory_space<vmem>>)
        %sub3A_421 = arith.constant 2 : i32
        %sub3A_422 = arith.subi %add3A_195, %sub3A_421 : i32
        %mul3A_423 = arith.constant 200 : i32
        %mul3A_424 = arith.muli %add3A, %mul3A_423 : i32
        %add3A_425 = arith.addi %mul3A_424, %sub3A_422 : i32
        %mul3A_426 = arith.constant 128 : i32
        %mul3A_427 = arith.muli %add3A_425, %mul3A_426 : i32
        %dma_start3A_428 = arith.constant 512 : i32
        %dma_start3A_429 = arith.constant 0 : i32
        %dma_start3A_430 = tpu.memref_slice %arg7[%dma_start3A_428, %dma_start3A_429] : memref<640x128xf32, #tpu.memory_space<vmem>> -> memref<128x128xf32, #tpu.memory_space<vmem>>
        %dma_start3A_431 = arith.constant 0 : i32
        %dma_start3A_432 = tpu.memref_slice %arg5[%mul3A_427, %dma_start3A_431] : memref<819200x128xf32, #tpu.memory_space<hbm>> -> memref<128x128xf32, #tpu.memory_space<hbm>>
        %dma_start3A_433 = arith.constant 0 : i32
        %dma_start3A_434 = tpu.memref_slice %arg5[%mul3A_427, %dma_start3A_433] : memref<819200x128xf32, #tpu.memory_space<hbm>> -> memref<128x128xf32, #tpu.memory_space<hbm>>
        %dma_start3A_435 = arith.constant 512 : i32
        %dma_start3A_436 = arith.constant 0 : i32
        %dma_start3A_437 = tpu.memref_slice %arg7[%dma_start3A_435, %dma_start3A_436] : memref<640x128xf32, #tpu.memory_space<vmem>> -> memref<128x128xf32, #tpu.memory_space<vmem>>
        tpu.enqueue_dma source(%dma_start3A_437 : memref<128x128xf32, #tpu.memory_space<vmem>>) target(%dma_start3A_434 : memref<128x128xf32, #tpu.memory_space<hbm>>) target_semaphore(%arg18 : memref<!tpu.dma_semaphore, #tpu.memory_space<semaphore_mem>>)
      } else {
      }
      %mul3A_232 = arith.constant 5 : i32
      %mul3A_233 = arith.muli %scan3A_152, %mul3A_232 : i32
      %add3A_234 = arith.constant 2 : i32
      %add3A_235 = arith.addi %mul3A_233, %add3A_234 : i32
      %dma_wait3A_236 = arith.constant 256 : i32
      %dma_wait3A_237 = arith.constant 0 : i32
      %dma_wait3A_238 = tpu.memref_slice %arg7[%dma_wait3A_236, %dma_wait3A_237] : memref<640x128xf32, #tpu.memory_space<vmem>> -> memref<128x128xf32, #tpu.memory_space<vmem>>
      %dma_wait3A_239 = arith.constant 0 : i32
      %dma_wait3A_240 = arith.constant 0 : i32
      %dma_wait3A_241 = tpu.memref_slice %arg8[%dma_wait3A_239, %dma_wait3A_240] : memref<400x128xf32, #tpu.memory_space<vmem_shared>> -> memref<128x128xf32, #tpu.memory_space<vmem_shared>>
      %dma_wait3A_242 = arith.constant 256 : i32
      %dma_wait3A_243 = arith.constant 0 : i32
      %dma_wait3A_244 = tpu.memref_slice %arg7[%dma_wait3A_242, %dma_wait3A_243] : memref<640x128xf32, #tpu.memory_space<vmem>> -> memref<128x128xf32, #tpu.memory_space<vmem>>
      %dma_wait3A_245 = arith.constant 0 : i32
      %dma_wait3A_246 = arith.constant 0 : i32
      %dma_wait3A_247 = tpu.memref_slice %arg8[%dma_wait3A_245, %dma_wait3A_246] : memref<400x128xf32, #tpu.memory_space<vmem_shared>> -> memref<128x128xf32, #tpu.memory_space<vmem_shared>>
      tpu.wait_dma2 semaphore(%arg21 : memref<!tpu.dma_semaphore, #tpu.memory_space<semaphore_mem>>) src(%dma_wait3A_247 : memref<128x128xf32, #tpu.memory_space<vmem_shared>>) dst(%dma_wait3A_244 : memref<128x128xf32, #tpu.memory_space<vmem>>)
      %dma_start3A_248 = arith.constant 256 : i32
      %dma_start3A_249 = arith.constant 0 : i32
      %dma_start3A_250 = tpu.memref_slice %arg7[%dma_start3A_248, %dma_start3A_249] : memref<640x128xf32, #tpu.memory_space<vmem>> -> memref<128x128xf32, #tpu.memory_space<vmem>>
      %dma_start3A_251 = arith.constant 0 : i32
      %dma_start3A_252 = tpu.memref_slice %arg6[%add3A_235, %dma_start3A_251] : memref<200x128xi32, #tpu.memory_space<vmem>> -> memref<1x128xi32, #tpu.memory_space<vmem>>
      %dma_start3A_253 = tpu.memref_squeeze %dma_start3A_252 : memref<1x128xi32, #tpu.memory_space<vmem>> -> memref<128xi32, #tpu.memory_space<vmem>>
      %dma_start3A_254 = arith.constant 0 : i32
      %dma_start3A_255 = arith.constant 0 : i32
      %dma_start3A_256 = tpu.memref_slice %arg3[%dma_start3A_254, %dma_start3A_255] : memref<100000x128xf32, #tpu.memory_space<hbm>> -> memref<100000x128xf32, #tpu.memory_space<hbm>>
      tpu.enqueue_indirect_dma source(%dma_start3A_256 : memref<100000x128xf32, #tpu.memory_space<hbm>>) target(%dma_start3A_250 : memref<128x128xf32, #tpu.memory_space<vmem>>) offsets(%dma_start3A_253 : memref<128xi32, #tpu.memory_space<vmem>>) semaphore(%arg11 : memref<!tpu.dma_semaphore, #tpu.memory_space<semaphore_mem>>) {add = true}
      %gt3A_257 = arith.constant 0 : i32
      %gt3A_258 = arith.cmpi sgt, %scan3A_152, %gt3A_257 : i32
      %convert_element_type3A_259 = arith.extui %gt3A_258 : i1 to i32
      %cond3A_260 = arith.constant 0 : i32
      %cond3A_261 = arith.cmpi ne, %convert_element_type3A_259, %cond3A_260 : i32
      scf.if %cond3A_261 {
        %add3A_410 = arith.constant 1 : i32
        %add3A_411 = arith.addi %add3A_235, %add3A_410 : i32
        %sub3A_412 = arith.constant 5 : i32
        %sub3A_413 = arith.subi %add3A_411, %sub3A_412 : i32
        %mul3A_414 = arith.constant 200 : i32
        %mul3A_415 = arith.muli %add3A, %mul3A_414 : i32
        %add3A_416 = arith.addi %mul3A_415, %sub3A_413 : i32
        %mul3A_417 = arith.constant 128 : i32
        %mul3A_418 = arith.muli %add3A_416, %mul3A_417 : i32
        %dma_wait3A_419 = arith.constant 384 : i32
        %dma_wait3A_420 = arith.constant 0 : i32
        %dma_wait3A_421 = tpu.memref_slice %arg7[%dma_wait3A_419, %dma_wait3A_420] : memref<640x128xf32, #tpu.memory_space<vmem>> -> memref<128x128xf32, #tpu.memory_space<vmem>>
        %dma_wait3A_422 = arith.constant 0 : i32
        %dma_wait3A_423 = tpu.memref_slice %arg5[%mul3A_418, %dma_wait3A_422] : memref<819200x128xf32, #tpu.memory_space<hbm>> -> memref<128x128xf32, #tpu.memory_space<hbm>>
        %dma_wait3A_424 = arith.constant 0 : i32
        %dma_wait3A_425 = tpu.memref_slice %arg5[%mul3A_418, %dma_wait3A_424] : memref<819200x128xf32, #tpu.memory_space<hbm>> -> memref<128x128xf32, #tpu.memory_space<hbm>>
        %dma_wait3A_426 = arith.constant 384 : i32
        %dma_wait3A_427 = arith.constant 0 : i32
        %dma_wait3A_428 = tpu.memref_slice %arg7[%dma_wait3A_426, %dma_wait3A_427] : memref<640x128xf32, #tpu.memory_space<vmem>> -> memref<128x128xf32, #tpu.memory_space<vmem>>
        tpu.wait_dma2 semaphore(%arg17 : memref<!tpu.dma_semaphore, #tpu.memory_space<semaphore_mem>>) src(%dma_wait3A_428 : memref<128x128xf32, #tpu.memory_space<vmem>>) dst(%dma_wait3A_425 : memref<128x128xf32, #tpu.memory_space<hbm>>)
        %add3A_429 = arith.constant 1 : i32
        %add3A_430 = arith.addi %add3A_235, %add3A_429 : i32
        %mul3A_431 = arith.constant 128 : i32
        %mul3A_432 = arith.muli %add3A_430, %mul3A_431 : i32
        %rem3A_433 = arith.constant 200 : i32
        %rem3A_434 = arith.remsi %mul3A_432, %rem3A_433 : i32
        %dma_start3A_435 = arith.constant 384 : i32
        %dma_start3A_436 = arith.constant 0 : i32
        %dma_start3A_437 = tpu.memref_slice %arg7[%dma_start3A_435, %dma_start3A_436] : memref<640x128xf32, #tpu.memory_space<vmem>> -> memref<128x128xf32, #tpu.memory_space<vmem>>
        %dma_start3A_438 = arith.constant 0 : i32
        %dma_start3A_439 = tpu.memref_slice %arg8[%rem3A_434, %dma_start3A_438] : memref<400x128xf32, #tpu.memory_space<vmem_shared>> -> memref<128x128xf32, #tpu.memory_space<vmem_shared>>
        %dma_start3A_440 = arith.constant 384 : i32
        %dma_start3A_441 = arith.constant 0 : i32
        %dma_start3A_442 = tpu.memref_slice %arg7[%dma_start3A_440, %dma_start3A_441] : memref<640x128xf32, #tpu.memory_space<vmem>> -> memref<128x128xf32, #tpu.memory_space<vmem>>
        %dma_start3A_443 = arith.constant 0 : i32
        %dma_start3A_444 = tpu.memref_slice %arg8[%rem3A_434, %dma_start3A_443] : memref<400x128xf32, #tpu.memory_space<vmem_shared>> -> memref<128x128xf32, #tpu.memory_space<vmem_shared>>
        tpu.enqueue_dma source(%dma_start3A_444 : memref<128x128xf32, #tpu.memory_space<vmem_shared>>) target(%dma_start3A_442 : memref<128x128xf32, #tpu.memory_space<vmem>>) target_semaphore(%arg22 : memref<!tpu.dma_semaphore, #tpu.memory_space<semaphore_mem>>)
      } else {
      }
      %eq3A_262 = arith.constant 0 : i32
      %eq3A_263 = arith.cmpi eq, %scan3A_152, %eq3A_262 : i32
      %convert_element_type3A_264 = arith.extui %eq3A_263 : i1 to i32
      %cond3A_265 = arith.constant 0 : i32
      %cond3A_266 = arith.cmpi ne, %convert_element_type3A_264, %cond3A_265 : i32
      scf.if %cond3A_266 {
        %add3A_410 = arith.constant 1 : i32
        %add3A_411 = arith.addi %add3A_235, %add3A_410 : i32
        %mul3A_412 = arith.constant 128 : i32
        %mul3A_413 = arith.muli %add3A_411, %mul3A_412 : i32
        %rem3A_414 = arith.constant 200 : i32
        %rem3A_415 = arith.remsi %mul3A_413, %rem3A_414 : i32
        %dma_start3A_416 = arith.constant 384 : i32
        %dma_start3A_417 = arith.constant 0 : i32
        %dma_start3A_418 = tpu.memref_slice %arg7[%dma_start3A_416, %dma_start3A_417] : memref<640x128xf32, #tpu.memory_space<vmem>> -> memref<128x128xf32, #tpu.memory_space<vmem>>
        %dma_start3A_419 = arith.constant 0 : i32
        %dma_start3A_420 = tpu.memref_slice %arg8[%rem3A_415, %dma_start3A_419] : memref<400x128xf32, #tpu.memory_space<vmem_shared>> -> memref<128x128xf32, #tpu.memory_space<vmem_shared>>
        %dma_start3A_421 = arith.constant 384 : i32
        %dma_start3A_422 = arith.constant 0 : i32
        %dma_start3A_423 = tpu.memref_slice %arg7[%dma_start3A_421, %dma_start3A_422] : memref<640x128xf32, #tpu.memory_space<vmem>> -> memref<128x128xf32, #tpu.memory_space<vmem>>
        %dma_start3A_424 = arith.constant 0 : i32
        %dma_start3A_425 = tpu.memref_slice %arg8[%rem3A_415, %dma_start3A_424] : memref<400x128xf32, #tpu.memory_space<vmem_shared>> -> memref<128x128xf32, #tpu.memory_space<vmem_shared>>
        tpu.enqueue_dma source(%dma_start3A_425 : memref<128x128xf32, #tpu.memory_space<vmem_shared>>) target(%dma_start3A_423 : memref<128x128xf32, #tpu.memory_space<vmem>>) target_semaphore(%arg22 : memref<!tpu.dma_semaphore, #tpu.memory_space<semaphore_mem>>)
      } else {
      }
      %dma_wait3A_267 = arith.constant 0 : i32
      %dma_wait3A_268 = arith.constant 0 : i32
      %dma_wait3A_269 = tpu.memref_slice %arg7[%dma_wait3A_267, %dma_wait3A_268] : memref<640x128xf32, #tpu.memory_space<vmem>> -> memref<128x128xf32, #tpu.memory_space<vmem>>
      %dma_wait3A_270 = arith.constant 0 : i32
      %dma_wait3A_271 = tpu.memref_slice %arg6[%add3A_156, %dma_wait3A_270] : memref<200x128xi32, #tpu.memory_space<vmem>> -> memref<1x128xi32, #tpu.memory_space<vmem>>
      %dma_wait3A_272 = tpu.memref_squeeze %dma_wait3A_271 : memref<1x128xi32, #tpu.memory_space<vmem>> -> memref<128xi32, #tpu.memory_space<vmem>>
      %dma_wait3A_273 = arith.constant 0 : i32
      %dma_wait3A_274 = arith.constant 0 : i32
      %dma_wait3A_275 = tpu.memref_slice %arg3[%dma_wait3A_273, %dma_wait3A_274] : memref<100000x128xf32, #tpu.memory_space<hbm>> -> memref<100000x128xf32, #tpu.memory_space<hbm>>
      tpu.wait_indirect_dma semaphore(%arg9 : memref<!tpu.dma_semaphore, #tpu.memory_space<semaphore_mem>>) src(%dma_wait3A_275 : memref<100000x128xf32, #tpu.memory_space<hbm>>) dst(%dma_wait3A_269 : memref<128x128xf32, #tpu.memory_space<vmem>>)
      %sub3A = arith.constant 2 : i32
      %sub3A_276 = arith.subi %add3A_235, %sub3A : i32
      %mul3A_277 = arith.constant 200 : i32
      %mul3A_278 = arith.muli %add3A, %mul3A_277 : i32
      %add3A_279 = arith.addi %mul3A_278, %sub3A_276 : i32
      %mul3A_280 = arith.constant 128 : i32
      %mul3A_281 = arith.muli %add3A_279, %mul3A_280 : i32
      %dma_start3A_282 = arith.constant 0 : i32
      %dma_start3A_283 = arith.constant 0 : i32
      %dma_start3A_284 = tpu.memref_slice %arg7[%dma_start3A_282, %dma_start3A_283] : memref<640x128xf32, #tpu.memory_space<vmem>> -> memref<128x128xf32, #tpu.memory_space<vmem>>
      %dma_start3A_285 = arith.constant 0 : i32
      %dma_start3A_286 = tpu.memref_slice %arg5[%mul3A_281, %dma_start3A_285] : memref<819200x128xf32, #tpu.memory_space<hbm>> -> memref<128x128xf32, #tpu.memory_space<hbm>>
      %dma_start3A_287 = arith.constant 0 : i32
      %dma_start3A_288 = tpu.memref_slice %arg5[%mul3A_281, %dma_start3A_287] : memref<819200x128xf32, #tpu.memory_space<hbm>> -> memref<128x128xf32, #tpu.memory_space<hbm>>
      %dma_start3A_289 = arith.constant 0 : i32
      %dma_start3A_290 = arith.constant 0 : i32
      %dma_start3A_291 = tpu.memref_slice %arg7[%dma_start3A_289, %dma_start3A_290] : memref<640x128xf32, #tpu.memory_space<vmem>> -> memref<128x128xf32, #tpu.memory_space<vmem>>
      tpu.enqueue_dma source(%dma_start3A_291 : memref<128x128xf32, #tpu.memory_space<vmem>>) target(%dma_start3A_288 : memref<128x128xf32, #tpu.memory_space<hbm>>) target_semaphore(%arg14 : memref<!tpu.dma_semaphore, #tpu.memory_space<semaphore_mem>>)
      %mul3A_292 = arith.constant 5 : i32
      %mul3A_293 = arith.muli %scan3A_152, %mul3A_292 : i32
      %add3A_294 = arith.constant 3 : i32
      %add3A_295 = arith.addi %mul3A_293, %add3A_294 : i32
      %dma_wait3A_296 = arith.constant 384 : i32
      %dma_wait3A_297 = arith.constant 0 : i32
      %dma_wait3A_298 = tpu.memref_slice %arg7[%dma_wait3A_296, %dma_wait3A_297] : memref<640x128xf32, #tpu.memory_space<vmem>> -> memref<128x128xf32, #tpu.memory_space<vmem>>
      %dma_wait3A_299 = arith.constant 0 : i32
      %dma_wait3A_300 = arith.constant 0 : i32
      %dma_wait3A_301 = tpu.memref_slice %arg8[%dma_wait3A_299, %dma_wait3A_300] : memref<400x128xf32, #tpu.memory_space<vmem_shared>> -> memref<128x128xf32, #tpu.memory_space<vmem_shared>>
      %dma_wait3A_302 = arith.constant 384 : i32
      %dma_wait3A_303 = arith.constant 0 : i32
      %dma_wait3A_304 = tpu.memref_slice %arg7[%dma_wait3A_302, %dma_wait3A_303] : memref<640x128xf32, #tpu.memory_space<vmem>> -> memref<128x128xf32, #tpu.memory_space<vmem>>
      %dma_wait3A_305 = arith.constant 0 : i32
      %dma_wait3A_306 = arith.constant 0 : i32
      %dma_wait3A_307 = tpu.memref_slice %arg8[%dma_wait3A_305, %dma_wait3A_306] : memref<400x128xf32, #tpu.memory_space<vmem_shared>> -> memref<128x128xf32, #tpu.memory_space<vmem_shared>>
      tpu.wait_dma2 semaphore(%arg22 : memref<!tpu.dma_semaphore, #tpu.memory_space<semaphore_mem>>) src(%dma_wait3A_307 : memref<128x128xf32, #tpu.memory_space<vmem_shared>>) dst(%dma_wait3A_304 : memref<128x128xf32, #tpu.memory_space<vmem>>)
      %dma_start3A_308 = arith.constant 384 : i32
      %dma_start3A_309 = arith.constant 0 : i32
      %dma_start3A_310 = tpu.memref_slice %arg7[%dma_start3A_308, %dma_start3A_309] : memref<640x128xf32, #tpu.memory_space<vmem>> -> memref<128x128xf32, #tpu.memory_space<vmem>>
      %dma_start3A_311 = arith.constant 0 : i32
      %dma_start3A_312 = tpu.memref_slice %arg6[%add3A_295, %dma_start3A_311] : memref<200x128xi32, #tpu.memory_space<vmem>> -> memref<1x128xi32, #tpu.memory_space<vmem>>
      %dma_start3A_313 = tpu.memref_squeeze %dma_start3A_312 : memref<1x128xi32, #tpu.memory_space<vmem>> -> memref<128xi32, #tpu.memory_space<vmem>>
      %dma_start3A_314 = arith.constant 0 : i32
      %dma_start3A_315 = arith.constant 0 : i32
      %dma_start3A_316 = tpu.memref_slice %arg3[%dma_start3A_314, %dma_start3A_315] : memref<100000x128xf32, #tpu.memory_space<hbm>> -> memref<100000x128xf32, #tpu.memory_space<hbm>>
      tpu.enqueue_indirect_dma source(%dma_start3A_316 : memref<100000x128xf32, #tpu.memory_space<hbm>>) target(%dma_start3A_310 : memref<128x128xf32, #tpu.memory_space<vmem>>) offsets(%dma_start3A_313 : memref<128xi32, #tpu.memory_space<vmem>>) semaphore(%arg12 : memref<!tpu.dma_semaphore, #tpu.memory_space<semaphore_mem>>) {add = true}
      %gt3A_317 = arith.constant 0 : i32
      %gt3A_318 = arith.cmpi sgt, %scan3A_152, %gt3A_317 : i32
      %convert_element_type3A_319 = arith.extui %gt3A_318 : i1 to i32
      %cond3A_320 = arith.constant 0 : i32
      %cond3A_321 = arith.cmpi ne, %convert_element_type3A_319, %cond3A_320 : i32
      scf.if %cond3A_321 {
        %add3A_410 = arith.constant 1 : i32
        %add3A_411 = arith.addi %add3A_295, %add3A_410 : i32
        %sub3A_412 = arith.constant 5 : i32
        %sub3A_413 = arith.subi %add3A_411, %sub3A_412 : i32
        %mul3A_414 = arith.constant 200 : i32
        %mul3A_415 = arith.muli %add3A, %mul3A_414 : i32
        %add3A_416 = arith.addi %mul3A_415, %sub3A_413 : i32
        %mul3A_417 = arith.constant 128 : i32
        %mul3A_418 = arith.muli %add3A_416, %mul3A_417 : i32
        %dma_wait3A_419 = arith.constant 512 : i32
        %dma_wait3A_420 = arith.constant 0 : i32
        %dma_wait3A_421 = tpu.memref_slice %arg7[%dma_wait3A_419, %dma_wait3A_420] : memref<640x128xf32, #tpu.memory_space<vmem>> -> memref<128x128xf32, #tpu.memory_space<vmem>>
        %dma_wait3A_422 = arith.constant 0 : i32
        %dma_wait3A_423 = tpu.memref_slice %arg5[%mul3A_418, %dma_wait3A_422] : memref<819200x128xf32, #tpu.memory_space<hbm>> -> memref<128x128xf32, #tpu.memory_space<hbm>>
        %dma_wait3A_424 = arith.constant 0 : i32
        %dma_wait3A_425 = tpu.memref_slice %arg5[%mul3A_418, %dma_wait3A_424] : memref<819200x128xf32, #tpu.memory_space<hbm>> -> memref<128x128xf32, #tpu.memory_space<hbm>>
        %dma_wait3A_426 = arith.constant 512 : i32
        %dma_wait3A_427 = arith.constant 0 : i32
        %dma_wait3A_428 = tpu.memref_slice %arg7[%dma_wait3A_426, %dma_wait3A_427] : memref<640x128xf32, #tpu.memory_space<vmem>> -> memref<128x128xf32, #tpu.memory_space<vmem>>
        tpu.wait_dma2 semaphore(%arg18 : memref<!tpu.dma_semaphore, #tpu.memory_space<semaphore_mem>>) src(%dma_wait3A_428 : memref<128x128xf32, #tpu.memory_space<vmem>>) dst(%dma_wait3A_425 : memref<128x128xf32, #tpu.memory_space<hbm>>)
        %add3A_429 = arith.constant 1 : i32
        %add3A_430 = arith.addi %add3A_295, %add3A_429 : i32
        %mul3A_431 = arith.constant 128 : i32
        %mul3A_432 = arith.muli %add3A_430, %mul3A_431 : i32
        %rem3A_433 = arith.constant 200 : i32
        %rem3A_434 = arith.remsi %mul3A_432, %rem3A_433 : i32
        %dma_start3A_435 = arith.constant 512 : i32
        %dma_start3A_436 = arith.constant 0 : i32
        %dma_start3A_437 = tpu.memref_slice %arg7[%dma_start3A_435, %dma_start3A_436] : memref<640x128xf32, #tpu.memory_space<vmem>> -> memref<128x128xf32, #tpu.memory_space<vmem>>
        %dma_start3A_438 = arith.constant 0 : i32
        %dma_start3A_439 = tpu.memref_slice %arg8[%rem3A_434, %dma_start3A_438] : memref<400x128xf32, #tpu.memory_space<vmem_shared>> -> memref<128x128xf32, #tpu.memory_space<vmem_shared>>
        %dma_start3A_440 = arith.constant 512 : i32
        %dma_start3A_441 = arith.constant 0 : i32
        %dma_start3A_442 = tpu.memref_slice %arg7[%dma_start3A_440, %dma_start3A_441] : memref<640x128xf32, #tpu.memory_space<vmem>> -> memref<128x128xf32, #tpu.memory_space<vmem>>
        %dma_start3A_443 = arith.constant 0 : i32
        %dma_start3A_444 = tpu.memref_slice %arg8[%rem3A_434, %dma_start3A_443] : memref<400x128xf32, #tpu.memory_space<vmem_shared>> -> memref<128x128xf32, #tpu.memory_space<vmem_shared>>
        tpu.enqueue_dma source(%dma_start3A_444 : memref<128x128xf32, #tpu.memory_space<vmem_shared>>) target(%dma_start3A_442 : memref<128x128xf32, #tpu.memory_space<vmem>>) target_semaphore(%arg23 : memref<!tpu.dma_semaphore, #tpu.memory_space<semaphore_mem>>)
      } else {
      }
      %eq3A_322 = arith.constant 0 : i32
      %eq3A_323 = arith.cmpi eq, %scan3A_152, %eq3A_322 : i32
      %convert_element_type3A_324 = arith.extui %eq3A_323 : i1 to i32
      %cond3A_325 = arith.constant 0 : i32
      %cond3A_326 = arith.cmpi ne, %convert_element_type3A_324, %cond3A_325 : i32
      scf.if %cond3A_326 {
        %add3A_410 = arith.constant 1 : i32
        %add3A_411 = arith.addi %add3A_295, %add3A_410 : i32
        %mul3A_412 = arith.constant 128 : i32
        %mul3A_413 = arith.muli %add3A_411, %mul3A_412 : i32
        %rem3A_414 = arith.constant 200 : i32
        %rem3A_415 = arith.remsi %mul3A_413, %rem3A_414 : i32
        %dma_start3A_416 = arith.constant 512 : i32
        %dma_start3A_417 = arith.constant 0 : i32
        %dma_start3A_418 = tpu.memref_slice %arg7[%dma_start3A_416, %dma_start3A_417] : memref<640x128xf32, #tpu.memory_space<vmem>> -> memref<128x128xf32, #tpu.memory_space<vmem>>
        %dma_start3A_419 = arith.constant 0 : i32
        %dma_start3A_420 = tpu.memref_slice %arg8[%rem3A_415, %dma_start3A_419] : memref<400x128xf32, #tpu.memory_space<vmem_shared>> -> memref<128x128xf32, #tpu.memory_space<vmem_shared>>
        %dma_start3A_421 = arith.constant 512 : i32
        %dma_start3A_422 = arith.constant 0 : i32
        %dma_start3A_423 = tpu.memref_slice %arg7[%dma_start3A_421, %dma_start3A_422] : memref<640x128xf32, #tpu.memory_space<vmem>> -> memref<128x128xf32, #tpu.memory_space<vmem>>
        %dma_start3A_424 = arith.constant 0 : i32
        %dma_start3A_425 = tpu.memref_slice %arg8[%rem3A_415, %dma_start3A_424] : memref<400x128xf32, #tpu.memory_space<vmem_shared>> -> memref<128x128xf32, #tpu.memory_space<vmem_shared>>
        tpu.enqueue_dma source(%dma_start3A_425 : memref<128x128xf32, #tpu.memory_space<vmem_shared>>) target(%dma_start3A_423 : memref<128x128xf32, #tpu.memory_space<vmem>>) target_semaphore(%arg23 : memref<!tpu.dma_semaphore, #tpu.memory_space<semaphore_mem>>)
      } else {
      }
      %dma_wait3A_327 = arith.constant 128 : i32
      %dma_wait3A_328 = arith.constant 0 : i32
      %dma_wait3A_329 = tpu.memref_slice %arg7[%dma_wait3A_327, %dma_wait3A_328] : memref<640x128xf32, #tpu.memory_space<vmem>> -> memref<128x128xf32, #tpu.memory_space<vmem>>
      %dma_wait3A_330 = arith.constant 0 : i32
      %dma_wait3A_331 = tpu.memref_slice %arg6[%add3A_195, %dma_wait3A_330] : memref<200x128xi32, #tpu.memory_space<vmem>> -> memref<1x128xi32, #tpu.memory_space<vmem>>
      %dma_wait3A_332 = tpu.memref_squeeze %dma_wait3A_331 : memref<1x128xi32, #tpu.memory_space<vmem>> -> memref<128xi32, #tpu.memory_space<vmem>>
      %dma_wait3A_333 = arith.constant 0 : i32
      %dma_wait3A_334 = arith.constant 0 : i32
      %dma_wait3A_335 = tpu.memref_slice %arg3[%dma_wait3A_333, %dma_wait3A_334] : memref<100000x128xf32, #tpu.memory_space<hbm>> -> memref<100000x128xf32, #tpu.memory_space<hbm>>
      tpu.wait_indirect_dma semaphore(%arg10 : memref<!tpu.dma_semaphore, #tpu.memory_space<semaphore_mem>>) src(%dma_wait3A_335 : memref<100000x128xf32, #tpu.memory_space<hbm>>) dst(%dma_wait3A_329 : memref<128x128xf32, #tpu.memory_space<vmem>>)
      %sub3A_336 = arith.constant 2 : i32
      %sub3A_337 = arith.subi %add3A_295, %sub3A_336 : i32
      %mul3A_338 = arith.constant 200 : i32
      %mul3A_339 = arith.muli %add3A, %mul3A_338 : i32
      %add3A_340 = arith.addi %mul3A_339, %sub3A_337 : i32
      %mul3A_341 = arith.constant 128 : i32
      %mul3A_342 = arith.muli %add3A_340, %mul3A_341 : i32
      %dma_start3A_343 = arith.constant 128 : i32
      %dma_start3A_344 = arith.constant 0 : i32
      %dma_start3A_345 = tpu.memref_slice %arg7[%dma_start3A_343, %dma_start3A_344] : memref<640x128xf32, #tpu.memory_space<vmem>> -> memref<128x128xf32, #tpu.memory_space<vmem>>
      %dma_start3A_346 = arith.constant 0 : i32
      %dma_start3A_347 = tpu.memref_slice %arg5[%mul3A_342, %dma_start3A_346] : memref<819200x128xf32, #tpu.memory_space<hbm>> -> memref<128x128xf32, #tpu.memory_space<hbm>>
      %dma_start3A_348 = arith.constant 0 : i32
      %dma_start3A_349 = tpu.memref_slice %arg5[%mul3A_342, %dma_start3A_348] : memref<819200x128xf32, #tpu.memory_space<hbm>> -> memref<128x128xf32, #tpu.memory_space<hbm>>
      %dma_start3A_350 = arith.constant 128 : i32
      %dma_start3A_351 = arith.constant 0 : i32
      %dma_start3A_352 = tpu.memref_slice %arg7[%dma_start3A_350, %dma_start3A_351] : memref<640x128xf32, #tpu.memory_space<vmem>> -> memref<128x128xf32, #tpu.memory_space<vmem>>
      tpu.enqueue_dma source(%dma_start3A_352 : memref<128x128xf32, #tpu.memory_space<vmem>>) target(%dma_start3A_349 : memref<128x128xf32, #tpu.memory_space<hbm>>) target_semaphore(%arg15 : memref<!tpu.dma_semaphore, #tpu.memory_space<semaphore_mem>>)
      %mul3A_353 = arith.constant 5 : i32
      %mul3A_354 = arith.muli %scan3A_152, %mul3A_353 : i32
      %add3A_355 = arith.constant 4 : i32
      %add3A_356 = arith.addi %mul3A_354, %add3A_355 : i32
      %dma_wait3A_357 = arith.constant 512 : i32
      %dma_wait3A_358 = arith.constant 0 : i32
      %dma_wait3A_359 = tpu.memref_slice %arg7[%dma_wait3A_357, %dma_wait3A_358] : memref<640x128xf32, #tpu.memory_space<vmem>> -> memref<128x128xf32, #tpu.memory_space<vmem>>
      %dma_wait3A_360 = arith.constant 0 : i32
      %dma_wait3A_361 = arith.constant 0 : i32
      %dma_wait3A_362 = tpu.memref_slice %arg8[%dma_wait3A_360, %dma_wait3A_361] : memref<400x128xf32, #tpu.memory_space<vmem_shared>> -> memref<128x128xf32, #tpu.memory_space<vmem_shared>>
      %dma_wait3A_363 = arith.constant 512 : i32
      %dma_wait3A_364 = arith.constant 0 : i32
      %dma_wait3A_365 = tpu.memref_slice %arg7[%dma_wait3A_363, %dma_wait3A_364] : memref<640x128xf32, #tpu.memory_space<vmem>> -> memref<128x128xf32, #tpu.memory_space<vmem>>
      %dma_wait3A_366 = arith.constant 0 : i32
      %dma_wait3A_367 = arith.constant 0 : i32
      %dma_wait3A_368 = tpu.memref_slice %arg8[%dma_wait3A_366, %dma_wait3A_367] : memref<400x128xf32, #tpu.memory_space<vmem_shared>> -> memref<128x128xf32, #tpu.memory_space<vmem_shared>>
      tpu.wait_dma2 semaphore(%arg23 : memref<!tpu.dma_semaphore, #tpu.memory_space<semaphore_mem>>) src(%dma_wait3A_368 : memref<128x128xf32, #tpu.memory_space<vmem_shared>>) dst(%dma_wait3A_365 : memref<128x128xf32, #tpu.memory_space<vmem>>)
      %dma_start3A_369 = arith.constant 512 : i32
      %dma_start3A_370 = arith.constant 0 : i32
      %dma_start3A_371 = tpu.memref_slice %arg7[%dma_start3A_369, %dma_start3A_370] : memref<640x128xf32, #tpu.memory_space<vmem>> -> memref<128x128xf32, #tpu.memory_space<vmem>>
      %dma_start3A_372 = arith.constant 0 : i32
      %dma_start3A_373 = tpu.memref_slice %arg6[%add3A_356, %dma_start3A_372] : memref<200x128xi32, #tpu.memory_space<vmem>> -> memref<1x128xi32, #tpu.memory_space<vmem>>
      %dma_start3A_374 = tpu.memref_squeeze %dma_start3A_373 : memref<1x128xi32, #tpu.memory_space<vmem>> -> memref<128xi32, #tpu.memory_space<vmem>>
      %dma_start3A_375 = arith.constant 0 : i32
      %dma_start3A_376 = arith.constant 0 : i32
      %dma_start3A_377 = tpu.memref_slice %arg3[%dma_start3A_375, %dma_start3A_376] : memref<100000x128xf32, #tpu.memory_space<hbm>> -> memref<100000x128xf32, #tpu.memory_space<hbm>>
      tpu.enqueue_indirect_dma source(%dma_start3A_377 : memref<100000x128xf32, #tpu.memory_space<hbm>>) target(%dma_start3A_371 : memref<128x128xf32, #tpu.memory_space<vmem>>) offsets(%dma_start3A_374 : memref<128xi32, #tpu.memory_space<vmem>>) semaphore(%arg13 : memref<!tpu.dma_semaphore, #tpu.memory_space<semaphore_mem>>) {add = true}
      %add3A_378 = arith.constant 1 : i32
      %add3A_379 = arith.addi %scan3A_152, %add3A_378 : i32
      %lt3A = arith.constant 40 : i32
      %lt3A_380 = arith.cmpi slt, %add3A_379, %lt3A : i32
      %convert_element_type3A_381 = arith.extui %lt3A_380 : i1 to i32
      %cond3A_382 = arith.constant 0 : i32
      %cond3A_383 = arith.cmpi ne, %convert_element_type3A_381, %cond3A_382 : i32
      scf.if %cond3A_383 {
        %add3A_410 = arith.constant 1 : i32
        %add3A_411 = arith.addi %add3A_356, %add3A_410 : i32
        %sub3A_412 = arith.constant 5 : i32
        %sub3A_413 = arith.subi %add3A_411, %sub3A_412 : i32
        %mul3A_414 = arith.constant 200 : i32
        %mul3A_415 = arith.muli %add3A, %mul3A_414 : i32
        %add3A_416 = arith.addi %mul3A_415, %sub3A_413 : i32
        %mul3A_417 = arith.constant 128 : i32
        %mul3A_418 = arith.muli %add3A_416, %mul3A_417 : i32
        %dma_wait3A_419 = arith.constant 0 : i32
        %dma_wait3A_420 = arith.constant 0 : i32
        %dma_wait3A_421 = tpu.memref_slice %arg7[%dma_wait3A_419, %dma_wait3A_420] : memref<640x128xf32, #tpu.memory_space<vmem>> -> memref<128x128xf32, #tpu.memory_space<vmem>>
        %dma_wait3A_422 = arith.constant 0 : i32
        %dma_wait3A_423 = tpu.memref_slice %arg5[%mul3A_418, %dma_wait3A_422] : memref<819200x128xf32, #tpu.memory_space<hbm>> -> memref<128x128xf32, #tpu.memory_space<hbm>>
        %dma_wait3A_424 = arith.constant 0 : i32
        %dma_wait3A_425 = tpu.memref_slice %arg5[%mul3A_418, %dma_wait3A_424] : memref<819200x128xf32, #tpu.memory_space<hbm>> -> memref<128x128xf32, #tpu.memory_space<hbm>>
        %dma_wait3A_426 = arith.constant 0 : i32
        %dma_wait3A_427 = arith.constant 0 : i32
        %dma_wait3A_428 = tpu.memref_slice %arg7[%dma_wait3A_426, %dma_wait3A_427] : memref<640x128xf32, #tpu.memory_space<vmem>> -> memref<128x128xf32, #tpu.memory_space<vmem>>
        tpu.wait_dma2 semaphore(%arg14 : memref<!tpu.dma_semaphore, #tpu.memory_space<semaphore_mem>>) src(%dma_wait3A_428 : memref<128x128xf32, #tpu.memory_space<vmem>>) dst(%dma_wait3A_425 : memref<128x128xf32, #tpu.memory_space<hbm>>)
        %add3A_429 = arith.constant 1 : i32
        %add3A_430 = arith.addi %add3A_356, %add3A_429 : i32
        %mul3A_431 = arith.constant 128 : i32
        %mul3A_432 = arith.muli %add3A_430, %mul3A_431 : i32
        %rem3A_433 = arith.constant 200 : i32
        %rem3A_434 = arith.remsi %mul3A_432, %rem3A_433 : i32
        %dma_start3A_435 = arith.constant 0 : i32
        %dma_start3A_436 = arith.constant 0 : i32
        %dma_start3A_437 = tpu.memref_slice %arg7[%dma_start3A_435, %dma_start3A_436] : memref<640x128xf32, #tpu.memory_space<vmem>> -> memref<128x128xf32, #tpu.memory_space<vmem>>
        %dma_start3A_438 = arith.constant 0 : i32
        %dma_start3A_439 = tpu.memref_slice %arg8[%rem3A_434, %dma_start3A_438] : memref<400x128xf32, #tpu.memory_space<vmem_shared>> -> memref<128x128xf32, #tpu.memory_space<vmem_shared>>
        %dma_start3A_440 = arith.constant 0 : i32
        %dma_start3A_441 = arith.constant 0 : i32
        %dma_start3A_442 = tpu.memref_slice %arg7[%dma_start3A_440, %dma_start3A_441] : memref<640x128xf32, #tpu.memory_space<vmem>> -> memref<128x128xf32, #tpu.memory_space<vmem>>
        %dma_start3A_443 = arith.constant 0 : i32
        %dma_start3A_444 = tpu.memref_slice %arg8[%rem3A_434, %dma_start3A_443] : memref<400x128xf32, #tpu.memory_space<vmem_shared>> -> memref<128x128xf32, #tpu.memory_space<vmem_shared>>
        tpu.enqueue_dma source(%dma_start3A_444 : memref<128x128xf32, #tpu.memory_space<vmem_shared>>) target(%dma_start3A_442 : memref<128x128xf32, #tpu.memory_space<vmem>>) target_semaphore(%arg19 : memref<!tpu.dma_semaphore, #tpu.memory_space<semaphore_mem>>)
      } else {
      }
      %dma_wait3A_384 = arith.constant 256 : i32
      %dma_wait3A_385 = arith.constant 0 : i32
      %dma_wait3A_386 = tpu.memref_slice %arg7[%dma_wait3A_384, %dma_wait3A_385] : memref<640x128xf32, #tpu.memory_space<vmem>> -> memref<128x128xf32, #tpu.memory_space<vmem>>
      %dma_wait3A_387 = arith.constant 0 : i32
      %dma_wait3A_388 = tpu.memref_slice %arg6[%add3A_235, %dma_wait3A_387] : memref<200x128xi32, #tpu.memory_space<vmem>> -> memref<1x128xi32, #tpu.memory_space<vmem>>
      %dma_wait3A_389 = tpu.memref_squeeze %dma_wait3A_388 : memref<1x128xi32, #tpu.memory_space<vmem>> -> memref<128xi32, #tpu.memory_space<vmem>>
      %dma_wait3A_390 = arith.constant 0 : i32
      %dma_wait3A_391 = arith.constant 0 : i32
      %dma_wait3A_392 = tpu.memref_slice %arg3[%dma_wait3A_390, %dma_wait3A_391] : memref<100000x128xf32, #tpu.memory_space<hbm>> -> memref<100000x128xf32, #tpu.memory_space<hbm>>
      tpu.wait_indirect_dma semaphore(%arg11 : memref<!tpu.dma_semaphore, #tpu.memory_space<semaphore_mem>>) src(%dma_wait3A_392 : memref<100000x128xf32, #tpu.memory_space<hbm>>) dst(%dma_wait3A_386 : memref<128x128xf32, #tpu.memory_space<vmem>>)
      %sub3A_393 = arith.constant 2 : i32
      %sub3A_394 = arith.subi %add3A_356, %sub3A_393 : i32
      %mul3A_395 = arith.constant 200 : i32
      %mul3A_396 = arith.muli %add3A, %mul3A_395 : i32
      %add3A_397 = arith.addi %mul3A_396, %sub3A_394 : i32
      %mul3A_398 = arith.constant 128 : i32
      %mul3A_399 = arith.muli %add3A_397, %mul3A_398 : i32
      %dma_start3A_400 = arith.constant 256 : i32
      %dma_start3A_401 = arith.constant 0 : i32
      %dma_start3A_402 = tpu.memref_slice %arg7[%dma_start3A_400, %dma_start3A_401] : memref<640x128xf32, #tpu.memory_space<vmem>> -> memref<128x128xf32, #tpu.memory_space<vmem>>
      %dma_start3A_403 = arith.constant 0 : i32
      %dma_start3A_404 = tpu.memref_slice %arg5[%mul3A_399, %dma_start3A_403] : memref<819200x128xf32, #tpu.memory_space<hbm>> -> memref<128x128xf32, #tpu.memory_space<hbm>>
      %dma_start3A_405 = arith.constant 0 : i32
      %dma_start3A_406 = tpu.memref_slice %arg5[%mul3A_399, %dma_start3A_405] : memref<819200x128xf32, #tpu.memory_space<hbm>> -> memref<128x128xf32, #tpu.memory_space<hbm>>
      %dma_start3A_407 = arith.constant 256 : i32
      %dma_start3A_408 = arith.constant 0 : i32
      %dma_start3A_409 = tpu.memref_slice %arg7[%dma_start3A_407, %dma_start3A_408] : memref<640x128xf32, #tpu.memory_space<vmem>> -> memref<128x128xf32, #tpu.memory_space<vmem>>
      tpu.enqueue_dma source(%dma_start3A_409 : memref<128x128xf32, #tpu.memory_space<vmem>>) target(%dma_start3A_406 : memref<128x128xf32, #tpu.memory_space<hbm>>) target_semaphore(%arg16 : memref<!tpu.dma_semaphore, #tpu.memory_space<semaphore_mem>>)
    }
    %scan3A_20 = arith.constant 40 : i32
    %dma_wait3A = arith.constant 198 : i32
    %dma_wait3A_21 = arith.constant 384 : i32
    %dma_wait3A_22 = arith.constant 0 : i32
    %dma_wait3A_23 = tpu.memref_slice %arg7[%dma_wait3A_21, %dma_wait3A_22] : memref<640x128xf32, #tpu.memory_space<vmem>> -> memref<128x128xf32, #tpu.memory_space<vmem>>
    %dma_wait3A_24 = arith.constant 0 : i32
    %dma_wait3A_25 = tpu.memref_slice %arg6[%dma_wait3A, %dma_wait3A_24] : memref<200x128xi32, #tpu.memory_space<vmem>> -> memref<1x128xi32, #tpu.memory_space<vmem>>
    %dma_wait3A_26 = tpu.memref_squeeze %dma_wait3A_25 : memref<1x128xi32, #tpu.memory_space<vmem>> -> memref<128xi32, #tpu.memory_space<vmem>>
    %dma_wait3A_27 = arith.constant 0 : i32
    %dma_wait3A_28 = arith.constant 0 : i32
    %dma_wait3A_29 = tpu.memref_slice %arg3[%dma_wait3A_27, %dma_wait3A_28] : memref<100000x128xf32, #tpu.memory_space<hbm>> -> memref<100000x128xf32, #tpu.memory_space<hbm>>
    tpu.wait_indirect_dma semaphore(%arg12 : memref<!tpu.dma_semaphore, #tpu.memory_space<semaphore_mem>>) src(%dma_wait3A_29 : memref<100000x128xf32, #tpu.memory_space<hbm>>) dst(%dma_wait3A_23 : memref<128x128xf32, #tpu.memory_space<vmem>>)
    %mul3A_30 = arith.constant 200 : i32
    %mul3A_31 = arith.muli %add3A, %mul3A_30 : i32
    %add3A_32 = arith.constant 198 : i32
    %add3A_33 = arith.addi %mul3A_31, %add3A_32 : i32
    %mul3A_34 = arith.constant 128 : i32
    %mul3A_35 = arith.muli %add3A_33, %mul3A_34 : i32
    %dma_start3A_36 = arith.constant 384 : i32
    %dma_start3A_37 = arith.constant 0 : i32
    %dma_start3A_38 = tpu.memref_slice %arg7[%dma_start3A_36, %dma_start3A_37] : memref<640x128xf32, #tpu.memory_space<vmem>> -> memref<128x128xf32, #tpu.memory_space<vmem>>
    %dma_start3A_39 = arith.constant 0 : i32
    %dma_start3A_40 = tpu.memref_slice %arg5[%mul3A_35, %dma_start3A_39] : memref<819200x128xf32, #tpu.memory_space<hbm>> -> memref<128x128xf32, #tpu.memory_space<hbm>>
    %dma_start3A_41 = arith.constant 0 : i32
    %dma_start3A_42 = tpu.memref_slice %arg5[%mul3A_35, %dma_start3A_41] : memref<819200x128xf32, #tpu.memory_space<hbm>> -> memref<128x128xf32, #tpu.memory_space<hbm>>
    %dma_start3A_43 = arith.constant 384 : i32
    %dma_start3A_44 = arith.constant 0 : i32
    %dma_start3A_45 = tpu.memref_slice %arg7[%dma_start3A_43, %dma_start3A_44] : memref<640x128xf32, #tpu.memory_space<vmem>> -> memref<128x128xf32, #tpu.memory_space<vmem>>
    tpu.enqueue_dma source(%dma_start3A_45 : memref<128x128xf32, #tpu.memory_space<vmem>>) target(%dma_start3A_42 : memref<128x128xf32, #tpu.memory_space<hbm>>) target_semaphore(%arg17 : memref<!tpu.dma_semaphore, #tpu.memory_space<semaphore_mem>>)
    %dma_wait3A_46 = arith.constant 199 : i32
    %dma_wait3A_47 = arith.constant 512 : i32
    %dma_wait3A_48 = arith.constant 0 : i32
    %dma_wait3A_49 = tpu.memref_slice %arg7[%dma_wait3A_47, %dma_wait3A_48] : memref<640x128xf32, #tpu.memory_space<vmem>> -> memref<128x128xf32, #tpu.memory_space<vmem>>
    %dma_wait3A_50 = arith.constant 0 : i32
    %dma_wait3A_51 = tpu.memref_slice %arg6[%dma_wait3A_46, %dma_wait3A_50] : memref<200x128xi32, #tpu.memory_space<vmem>> -> memref<1x128xi32, #tpu.memory_space<vmem>>
    %dma_wait3A_52 = tpu.memref_squeeze %dma_wait3A_51 : memref<1x128xi32, #tpu.memory_space<vmem>> -> memref<128xi32, #tpu.memory_space<vmem>>
    %dma_wait3A_53 = arith.constant 0 : i32
    %dma_wait3A_54 = arith.constant 0 : i32
    %dma_wait3A_55 = tpu.memref_slice %arg3[%dma_wait3A_53, %dma_wait3A_54] : memref<100000x128xf32, #tpu.memory_space<hbm>> -> memref<100000x128xf32, #tpu.memory_space<hbm>>
    tpu.wait_indirect_dma semaphore(%arg13 : memref<!tpu.dma_semaphore, #tpu.memory_space<semaphore_mem>>) src(%dma_wait3A_55 : memref<100000x128xf32, #tpu.memory_space<hbm>>) dst(%dma_wait3A_49 : memref<128x128xf32, #tpu.memory_space<vmem>>)
    %mul3A_56 = arith.constant 200 : i32
    %mul3A_57 = arith.muli %add3A, %mul3A_56 : i32
    %add3A_58 = arith.constant 199 : i32
    %add3A_59 = arith.addi %mul3A_57, %add3A_58 : i32
    %mul3A_60 = arith.constant 128 : i32
    %mul3A_61 = arith.muli %add3A_59, %mul3A_60 : i32
    %dma_start3A_62 = arith.constant 512 : i32
    %dma_start3A_63 = arith.constant 0 : i32
    %dma_start3A_64 = tpu.memref_slice %arg7[%dma_start3A_62, %dma_start3A_63] : memref<640x128xf32, #tpu.memory_space<vmem>> -> memref<128x128xf32, #tpu.memory_space<vmem>>
    %dma_start3A_65 = arith.constant 0 : i32
    %dma_start3A_66 = tpu.memref_slice %arg5[%mul3A_61, %dma_start3A_65] : memref<819200x128xf32, #tpu.memory_space<hbm>> -> memref<128x128xf32, #tpu.memory_space<hbm>>
    %dma_start3A_67 = arith.constant 0 : i32
    %dma_start3A_68 = tpu.memref_slice %arg5[%mul3A_61, %dma_start3A_67] : memref<819200x128xf32, #tpu.memory_space<hbm>> -> memref<128x128xf32, #tpu.memory_space<hbm>>
    %dma_start3A_69 = arith.constant 512 : i32
    %dma_start3A_70 = arith.constant 0 : i32
    %dma_start3A_71 = tpu.memref_slice %arg7[%dma_start3A_69, %dma_start3A_70] : memref<640x128xf32, #tpu.memory_space<vmem>> -> memref<128x128xf32, #tpu.memory_space<vmem>>
    tpu.enqueue_dma source(%dma_start3A_71 : memref<128x128xf32, #tpu.memory_space<vmem>>) target(%dma_start3A_68 : memref<128x128xf32, #tpu.memory_space<hbm>>) target_semaphore(%arg18 : memref<!tpu.dma_semaphore, #tpu.memory_space<semaphore_mem>>)
    %mul3A_72 = arith.constant 200 : i32
    %mul3A_73 = arith.muli %add3A, %mul3A_72 : i32
    %add3A_74 = arith.constant 195 : i32
    %add3A_75 = arith.addi %mul3A_73, %add3A_74 : i32
    %mul3A_76 = arith.constant 128 : i32
    %mul3A_77 = arith.muli %add3A_75, %mul3A_76 : i32
    %dma_wait3A_78 = arith.constant 0 : i32
    %dma_wait3A_79 = arith.constant 0 : i32
    %dma_wait3A_80 = tpu.memref_slice %arg7[%dma_wait3A_78, %dma_wait3A_79] : memref<640x128xf32, #tpu.memory_space<vmem>> -> memref<128x128xf32, #tpu.memory_space<vmem>>
    %dma_wait3A_81 = arith.constant 0 : i32
    %dma_wait3A_82 = tpu.memref_slice %arg5[%mul3A_77, %dma_wait3A_81] : memref<819200x128xf32, #tpu.memory_space<hbm>> -> memref<128x128xf32, #tpu.memory_space<hbm>>
    %dma_wait3A_83 = arith.constant 0 : i32
    %dma_wait3A_84 = tpu.memref_slice %arg5[%mul3A_77, %dma_wait3A_83] : memref<819200x128xf32, #tpu.memory_space<hbm>> -> memref<128x128xf32, #tpu.memory_space<hbm>>
    %dma_wait3A_85 = arith.constant 0 : i32
    %dma_wait3A_86 = arith.constant 0 : i32
    %dma_wait3A_87 = tpu.memref_slice %arg7[%dma_wait3A_85, %dma_wait3A_86] : memref<640x128xf32, #tpu.memory_space<vmem>> -> memref<128x128xf32, #tpu.memory_space<vmem>>
    tpu.wait_dma2 semaphore(%arg14 : memref<!tpu.dma_semaphore, #tpu.memory_space<semaphore_mem>>) src(%dma_wait3A_87 : memref<128x128xf32, #tpu.memory_space<vmem>>) dst(%dma_wait3A_84 : memref<128x128xf32, #tpu.memory_space<hbm>>)
    %mul3A_88 = arith.constant 200 : i32
    %mul3A_89 = arith.muli %add3A, %mul3A_88 : i32
    %add3A_90 = arith.constant 196 : i32
    %add3A_91 = arith.addi %mul3A_89, %add3A_90 : i32
    %mul3A_92 = arith.constant 128 : i32
    %mul3A_93 = arith.muli %add3A_91, %mul3A_92 : i32
    %dma_wait3A_94 = arith.constant 128 : i32
    %dma_wait3A_95 = arith.constant 0 : i32
    %dma_wait3A_96 = tpu.memref_slice %arg7[%dma_wait3A_94, %dma_wait3A_95] : memref<640x128xf32, #tpu.memory_space<vmem>> -> memref<128x128xf32, #tpu.memory_space<vmem>>
    %dma_wait3A_97 = arith.constant 0 : i32
    %dma_wait3A_98 = tpu.memref_slice %arg5[%mul3A_93, %dma_wait3A_97] : memref<819200x128xf32, #tpu.memory_space<hbm>> -> memref<128x128xf32, #tpu.memory_space<hbm>>
    %dma_wait3A_99 = arith.constant 0 : i32
    %dma_wait3A_100 = tpu.memref_slice %arg5[%mul3A_93, %dma_wait3A_99] : memref<819200x128xf32, #tpu.memory_space<hbm>> -> memref<128x128xf32, #tpu.memory_space<hbm>>
    %dma_wait3A_101 = arith.constant 128 : i32
    %dma_wait3A_102 = arith.constant 0 : i32
    %dma_wait3A_103 = tpu.memref_slice %arg7[%dma_wait3A_101, %dma_wait3A_102] : memref<640x128xf32, #tpu.memory_space<vmem>> -> memref<128x128xf32, #tpu.memory_space<vmem>>
    tpu.wait_dma2 semaphore(%arg15 : memref<!tpu.dma_semaphore, #tpu.memory_space<semaphore_mem>>) src(%dma_wait3A_103 : memref<128x128xf32, #tpu.memory_space<vmem>>) dst(%dma_wait3A_100 : memref<128x128xf32, #tpu.memory_space<hbm>>)
    %mul3A_104 = arith.constant 200 : i32
    %mul3A_105 = arith.muli %add3A, %mul3A_104 : i32
    %add3A_106 = arith.constant 197 : i32
    %add3A_107 = arith.addi %mul3A_105, %add3A_106 : i32
    %mul3A_108 = arith.constant 128 : i32
    %mul3A_109 = arith.muli %add3A_107, %mul3A_108 : i32
    %dma_wait3A_110 = arith.constant 256 : i32
    %dma_wait3A_111 = arith.constant 0 : i32
    %dma_wait3A_112 = tpu.memref_slice %arg7[%dma_wait3A_110, %dma_wait3A_111] : memref<640x128xf32, #tpu.memory_space<vmem>> -> memref<128x128xf32, #tpu.memory_space<vmem>>
    %dma_wait3A_113 = arith.constant 0 : i32
    %dma_wait3A_114 = tpu.memref_slice %arg5[%mul3A_109, %dma_wait3A_113] : memref<819200x128xf32, #tpu.memory_space<hbm>> -> memref<128x128xf32, #tpu.memory_space<hbm>>
    %dma_wait3A_115 = arith.constant 0 : i32
    %dma_wait3A_116 = tpu.memref_slice %arg5[%mul3A_109, %dma_wait3A_115] : memref<819200x128xf32, #tpu.memory_space<hbm>> -> memref<128x128xf32, #tpu.memory_space<hbm>>
    %dma_wait3A_117 = arith.constant 256 : i32
    %dma_wait3A_118 = arith.constant 0 : i32
    %dma_wait3A_119 = tpu.memref_slice %arg7[%dma_wait3A_117, %dma_wait3A_118] : memref<640x128xf32, #tpu.memory_space<vmem>> -> memref<128x128xf32, #tpu.memory_space<vmem>>
    tpu.wait_dma2 semaphore(%arg16 : memref<!tpu.dma_semaphore, #tpu.memory_space<semaphore_mem>>) src(%dma_wait3A_119 : memref<128x128xf32, #tpu.memory_space<vmem>>) dst(%dma_wait3A_116 : memref<128x128xf32, #tpu.memory_space<hbm>>)
    %mul3A_120 = arith.constant 200 : i32
    %mul3A_121 = arith.muli %add3A, %mul3A_120 : i32
    %add3A_122 = arith.constant 198 : i32
    %add3A_123 = arith.addi %mul3A_121, %add3A_122 : i32
    %mul3A_124 = arith.constant 128 : i32
    %mul3A_125 = arith.muli %add3A_123, %mul3A_124 : i32
    %dma_wait3A_126 = arith.constant 384 : i32
    %dma_wait3A_127 = arith.constant 0 : i32
    %dma_wait3A_128 = tpu.memref_slice %arg7[%dma_wait3A_126, %dma_wait3A_127] : memref<640x128xf32, #tpu.memory_space<vmem>> -> memref<128x128xf32, #tpu.memory_space<vmem>>
    %dma_wait3A_129 = arith.constant 0 : i32
    %dma_wait3A_130 = tpu.memref_slice %arg5[%mul3A_125, %dma_wait3A_129] : memref<819200x128xf32, #tpu.memory_space<hbm>> -> memref<128x128xf32, #tpu.memory_space<hbm>>
    %dma_wait3A_131 = arith.constant 0 : i32
    %dma_wait3A_132 = tpu.memref_slice %arg5[%mul3A_125, %dma_wait3A_131] : memref<819200x128xf32, #tpu.memory_space<hbm>> -> memref<128x128xf32, #tpu.memory_space<hbm>>
    %dma_wait3A_133 = arith.constant 384 : i32
    %dma_wait3A_134 = arith.constant 0 : i32
    %dma_wait3A_135 = tpu.memref_slice %arg7[%dma_wait3A_133, %dma_wait3A_134] : memref<640x128xf32, #tpu.memory_space<vmem>> -> memref<128x128xf32, #tpu.memory_space<vmem>>
    tpu.wait_dma2 semaphore(%arg17 : memref<!tpu.dma_semaphore, #tpu.memory_space<semaphore_mem>>) src(%dma_wait3A_135 : memref<128x128xf32, #tpu.memory_space<vmem>>) dst(%dma_wait3A_132 : memref<128x128xf32, #tpu.memory_space<hbm>>)
    %mul3A_136 = arith.constant 200 : i32
    %mul3A_137 = arith.muli %add3A, %mul3A_136 : i32
    %add3A_138 = arith.constant 199 : i32
    %add3A_139 = arith.addi %mul3A_137, %add3A_138 : i32
    %mul3A_140 = arith.constant 128 : i32
    %mul3A_141 = arith.muli %add3A_139, %mul3A_140 : i32
    %dma_wait3A_142 = arith.constant 512 : i32
    %dma_wait3A_143 = arith.constant 0 : i32
    %dma_wait3A_144 = tpu.memref_slice %arg7[%dma_wait3A_142, %dma_wait3A_143] : memref<640x128xf32, #tpu.memory_space<vmem>> -> memref<128x128xf32, #tpu.memory_space<vmem>>
    %dma_wait3A_145 = arith.constant 0 : i32
    %dma_wait3A_146 = tpu.memref_slice %arg5[%mul3A_141, %dma_wait3A_145] : memref<819200x128xf32, #tpu.memory_space<hbm>> -> memref<128x128xf32, #tpu.memory_space<hbm>>
    %dma_wait3A_147 = arith.constant 0 : i32
    %dma_wait3A_148 = tpu.memref_slice %arg5[%mul3A_141, %dma_wait3A_147] : memref<819200x128xf32, #tpu.memory_space<hbm>> -> memref<128x128xf32, #tpu.memory_space<hbm>>
    %dma_wait3A_149 = arith.constant 512 : i32
    %dma_wait3A_150 = arith.constant 0 : i32
    %dma_wait3A_151 = tpu.memref_slice %arg7[%dma_wait3A_149, %dma_wait3A_150] : memref<640x128xf32, #tpu.memory_space<vmem>> -> memref<128x128xf32, #tpu.memory_space<vmem>>
    tpu.wait_dma2 semaphore(%arg18 : memref<!tpu.dma_semaphore, #tpu.memory_space<semaphore_mem>>) src(%dma_wait3A_151 : memref<128x128xf32, #tpu.memory_space<vmem>>) dst(%dma_wait3A_148 : memref<128x128xf32, #tpu.memory_space<hbm>>)
    return
  }
}

</mosaic_0001>

<sc_bundles>
// kernel: kernel.3.cloned.1.call-start
scs
__scs_entry_jumppad:
0x0: {  	(pc) =	sbr.rel $0x88, $3  }
0x1: {  	(tag) =	ssettag $0x0;
	lr =	simm.s32 $0x1  }
0x2: {  	[smem:$0x3F9E] =	sst lr;
	_ =	strace $0xD0000000  }
0x3: {  	_ = 	snop  }
0x4: {  	_ = 	snop  }
0x5: {  	_ = 	snop  }
0x6: {  	_ = 	snop  }
0x7: {  	_ = 	snop  }
__scs_overlays_trampoline_lowered:
0x8: {  	[smem:$0x3FAD] =	sst s0  }
0x9: {  	[smem:$0x3FAE] =	sst s1  }
0xa: {  	[smem:$0x3FAF] =	sst s2  }
0xb: {  	[smem:$0x3FB0] =	sst s3  }
0xc: {  	[smem:$0x3FB1] =	sst s4  }
0xd: {  	[smem:$0x3FB2] =	sst s5  }
0xe: {  	[smem:$0x3FB3] =	sst s6  }
0xf: {  	[smem:$0x3FB4] =	sst s7  }
0x10: {  	[smem:$0x3FB5] =	sst s8  }
0x11: {  	[smem:$0x3FB6] =	sst s9;
	s0 =	simm.s32 @!p0 $0x0  }
0x12: {  	s1 =	sld [smem:$0x3F9C];
	s0 =	simm.s32 @p0 $0x1  }
0x13: {  	[smem:$0x3FB7] =	sst s0;
	s0 =	simm.s32 @!p1 $0x0  }
0x14: {  	s2 =	sld [smem:$0x3F9B];
	s0 =	simm.s32 @p1 $0x1  }
0x15: {  	[smem:$0x3FB8] =	sst s0;
	s0 =	simm.s32 @!p2 $0x0  }
0x16: {  	s3 =	sld [smem:$0x3FDB];
	s0 =	simm.s32 @p2 $0x1  }
0x17: {  	s4 =	simm.s32 $0x1BF5;
	[smem:$0x3FBA] =	sst s0  }
0x18: {  	s0 =	sld [smem:$0x3F9D];
	_ =	swait.ge [sflag:s4], $0x0  }
0x19: {  	s7 =	sld [smem:$0x3F9E]  }
0x1a: {  	s8 =	sadd.s32 $0xFFFFE003, lr  }
0x1b: {  	s9 =	sadd.s32 $0xFFFFFEF7, lr;
	s5 =	simm.s32 $0xFFFFFFFF;
	p2 =	slt.u32 s8, $0xFFFFF086  }
0x1c: {  	p1 =	slt.u32 s9, $0xF7A;
	s5 =	simm.s32 @!p2 $0x0  }
0x1d: {  	s5 =	simm.s32 @p1 $0x1;
	p0 =	seq.s32 s7, s2  }
0x1e: {  	s7 =	smul.u32 @!p0 $0xF7A, s2;
	p2 =	seq.s32 @!p0 s5, $0x0  }
0x1f: {  	s9 =	smul.u32 $0xF7A, s1;
	s8 =	simm.s32 @!p0 $0x1BF5;
	p2 =	por !p2, p0  }
0x20: {  	[sflag:s8] =	ssyncset.s32 @!p0 $0xFFFFF086;
	s6 =	sadd.s32 @!p0 s3, s7;
	s7 =	simm.s32 @!p0 $0x108  }
0x21: {  	s3 =	sadd.s32 s3, s9;
	s6 =	sadd.s32 @!p0 $0x88, s6;
	s7 =	simm.s32 @p2 $0x1082  }
0x22: {  	[simem:s7], [sflag:s8] =	dma.local @!p0 [hbm:s6], $0xF7A  }
0x23: {  	s9 =	sor.u32 $0xD0000000, s2;
	s6 =	simm.s32 $0x108;
	_ =	swait.ge @!p0 [sflag:s8], $0x0  }
0x24: {  	s3 =	sadd.s32 $0x88, s3;
	s6 =	simm.s32 @!p1 $0x1082;
	[sflag:s4] =	ssyncset.s32 $0xFFFFF086  }
0x25: {  	[simem:s6], [sflag:s4] =	dma.local [hbm:s3], $0xF7A  }
0x26: {  	[smem:$0x3F9E] =	sst s1;
	(tag) =	ssettag s2;
	_ =	strace s9  }
0x27: {  	s1 =	sld [smem:$0x3FAE]  }
0x28: {  	s2 =	sld [smem:$0x3FAF]  }
0x29: {  	s4 =	sld [smem:$0x3FB1]  }
0x2a: {  	p0 =	seq.s32 s5, $0x0;
	s5 =	sld [smem:$0x3FB2]  }
0x2b: {  	s6 =	sld [smem:$0x3FB3]  }
0x2c: {  	s7 =	sld [smem:$0x3FB4]  }
0x2d: {  	s3 =	simm.s32 $0x108;
	s8 =	sld [smem:$0x3FB5]  }
0x2e: {  	s3 =	simm.s32 @!p0 $0x1082;
	s9 =	sld [smem:$0x3FB6]  }
0x2f: {  	lr =	sadd.s32 s0, s3;
	s0 =	sld [smem:$0x3FAD]  }
0x30: {  	s3 =	sld [smem:$0x3FB0]  }
0x31: {  	[smem:$0x3FB9] =	sst s10  }
0x32: {  	s10 =	sld [smem:$0x3FB7];
	_ =	sdelay $0x3  }
0x33: {  	p0 =	seq.s32 s10, $0x1;
	s10 =	sld [smem:$0x3FB9];
	_ =	sdelay $0x3  }
0x34: {  	[smem:$0x3FB9] =	sst s10  }
0x35: {  	s10 =	sld [smem:$0x3FB8];
	_ =	sdelay $0x3  }
0x36: {  	p1 =	seq.s32 s10, $0x1;
	s10 =	sld [smem:$0x3FB9];
	_ =	sdelay $0x3  }
0x37: {  	[smem:$0x3FB9] =	sst s10  }
0x38: {  	s10 =	sld [smem:$0x3FBA]  }
0x39: {  	_ = 	snop;
	(pc) =	sbr.ind lr, $3  }
0x3a: {  	_ = 	snop  }
0x3b: {  	_ = 	snop  }
0x3c: {  	p2 =	seq.s32 s10, $0x1;
	s10 =	sld [smem:$0x3FB9]  }
0x3d: {  	_ =	shalt  }
0x3e: {  	_ =	shalt  }
0x3f: {  	_ =	shalt  }
0x40: {  	_ =	shalt  }
0x41: {  	_ =	shalt  }
0x42: {  	_ =	shalt  }
0x43: {  	_ =	shalt  }
0x44: {  	_ =	shalt  }
0x45: {  	_ =	shalt  }
0x46: {  	_ =	shalt  }
0x47: {  	_ =	shalt  }
0x48: {  	_ =	shalt  }
0x49: {  	_ =	shalt  }
0x4a: {  	_ =	shalt  }
0x4b: {  	_ =	shalt  }
0x4c: {  	_ =	shalt  }
0x4d: {  	_ =	shalt  }
0x4e: {  	_ =	shalt  }
0x4f: {  	_ =	shalt  }
0x50: {  	_ =	shalt  }
0x51: {  	_ =	shalt  }
0x52: {  	_ =	shalt  }
0x53: {  	_ =	shalt  }
0x54: {  	_ =	shalt  }
0x55: {  	_ =	shalt  }
0x56: {  	_ =	shalt  }
0x57: {  	_ =	shalt  }
0x58: {  	_ =	shalt  }
0x59: {  	_ =	shalt  }
0x5a: {  	_ =	shalt  }
0x5b: {  	_ =	shalt  }
0x5c: {  	_ =	shalt  }
0x5d: {  	_ =	shalt  }
0x5e: {  	_ =	shalt  }
0x5f: {  	_ =	shalt  }
0x60: {  	_ =	shalt  }
0x61: {  	_ =	shalt  }
0x62: {  	_ =	shalt  }
0x63: {  	_ =	shalt  }
0x64: {  	_ =	shalt  }
0x65: {  	_ =	shalt  }
0x66: {  	_ =	shalt  }
0x67: {  	_ =	shalt  }
0x68: {  	_ =	shalt  }
0x69: {  	_ =	shalt  }
0x6a: {  	_ =	shalt  }
0x6b: {  	_ =	shalt  }
0x6c: {  	_ =	shalt  }
0x6d: {  	_ =	shalt  }
0x6e: {  	_ =	shalt  }
0x6f: {  	_ =	shalt  }
0x70: {  	_ =	shalt  }
0x71: {  	_ =	shalt  }
0x72: {  	_ =	shalt  }
0x73: {  	_ =	shalt  }
0x74: {  	_ =	shalt  }
0x75: {  	_ =	shalt  }
0x76: {  	_ =	shalt  }
0x77: {  	_ =	shalt  }
0x78: {  	_ =	shalt  }
0x79: {  	_ =	shalt  }
0x7a: {  	_ =	shalt  }
0x7b: {  	_ =	shalt  }
0x7c: {  	_ =	shalt  }
0x7d: {  	_ =	shalt  }
0x7e: {  	_ =	shalt  }
0x7f: {  	_ =	shalt  }
0x80: {  	_ =	shalt  }
0x81: {  	_ =	shalt  }
0x82: {  	_ =	shalt  }
0x83: {  	_ =	shalt  }
0x84: {  	_ =	shalt  }
0x85: {  	_ =	shalt  }
0x86: {  	_ =	shalt  }
0x87: {  	_ =	shalt  }
.Lfunc_end0:
.L_simem_size_0:
called_computation_lowered:
.L_overlay_start_0:
0x88: {  	s2 =	sld [smem:$0x3FD9]  }
0x89: {  	s3 =	sld [smem:$0x3FFE];
	_ =	sdelay $0x1  }
0x8a: {  	s1 =	srdreg.scid  }
0x8b: {  	s0 =	sand.u32 $0x1, s1  }
0x8c: {  	s17 =	sshll.u32 s0, $0xA;
	s2 =	sadd.s32 s3, s2  }
0x8d: {  	s2 =	sadd.s32 s2, s17  }
0x8e: {  	[smem:$0x3FC5] =	sst s2  }
0x8f: {  	_ = 	snop  }
0x90: {  	s2 =	sld [smem:$0x3FC8]  }
0x91: {  	s18 =	sld [smem:$0x3FC7]  }
0x92: {  	s4 =	sld [smem:$0x3FD0];
	(tm) =	ssettm $0x1  }
0x93: {  	s5 =	sld [smem:$0x3FFB];
	_ =	sdelay $0x3  }
0x94: {  	_ =	strace s5  }
0x95: {  	s5 =	sld [smem:$0x3FFC];
	_ =	sdelay $0x3  }
0x96: {  	_ =	strace s5  }
0x97: {  	s5 =	sld [smem:$0x3FFD];
	_ =	sdelay $0x3  }
0x98: {  	_ =	strace s5  }
0x99: {  	_ =	strace $0x8FFFFFFF  }
0x9a: {  	s19 =	sld [smem:$0x3FDB];
	_ =	sdelay $0x1  }
0x9b: {  	s6 =	simm.s32 $_scs_section_size  }
0x9c: {  	s7 =	simm.s32 $_size__tile_overlayer_lowered;
	s8 =	simm.s32 $_tile_overlayer_lowered  }
0x9d: {  	s22 =	simm.s32 $0x1BFF;
	s21 =	sshll.u32 s8, $0x1;
	s5 =	sadd.s32 s6, s19  }
0x9e: {  	s9 =	simm.s32 $0x0;
	s20 =	sshll.u32 s7, $0x1;
	s7 =	sadd.s32 s21, s5  }
0x9f: {  	[timem:s9], [sflag:s22] =	dma.local [hbm:s7], s20  }
0xa0: {  	_ =	swait.ge [sflag:s22], s20  }
0xa1: {  	s6 =	ssub.s32 $0x0, s20;
	[sflag:s22] =	ssyncset.done $0x0  }
0xa2: {  	[sflag:s22] =	ssyncadd.s32 s6;
	_ =	sdelay $0x1  }
0xa3: {  	s23 =	simm.s32 $0x1B8B  }
0xa4: {  	_ =	swait.ge [sflag:s23], $0x1  }
0xa5: {  	[sflag:s23] =	ssyncset.done $0x0  }
0xa6: {  	s25 =	simm.s32 $0x1B8E;
	s24 =	sld [smem:$0x3FFE];
	[sflag:s23] =	ssyncadd.s32 $0xFFFFFFFF  }
0xa7: {  	s26 =	simm.s32 $execute0_lowered;
	[smem:$0x3FD2] =	sst s25  }
0xa8: {  	s7 =	sshll.u32 s26, $0x1;
	_ =	strace $0x80000046;
	[dreg:$0x1] =	wrdreg $0xFFFFFFFF  }
0xa9: {  	s28 =	simm.s32 $_size_execute0_lowered;
	s5 =	sadd.s32 s5, s7;
	[dreg:$0x0] =	wrdreg $0x0  }
0xaa: {  	s7 =	sshll.u32 s28, $0x1;
	[dreg:$0x2] =	wrdreg s5  }
0xab: {  	[dreg:$0x3] =	wrdreg s7  }
0xac: {  	[dreg:$0x4] =	wrdreg $0xC0  }
0xad: {  	_ =	task [dreg:s9], $0x5FFFF  }
0xae: {  	[dreg:$0x1] =	wrdreg $0xFFFFFFFF  }
0xaf: {  	[dreg:$0x0] =	wrdreg $0x60  }
0xb0: {  	[dreg:$0x2] =	wrdreg s24  }
0xb1: {  	[dreg:$0x3] =	wrdreg s2  }
0xb2: {  	[dreg:$0x4] =	wrdreg s18  }
0xb3: {  	[dreg:$0x5] =	wrdreg s4  }
0xb4: {  	[dreg:$0x6] =	wrdreg $0x1A4000  }
0xb5: {  	[dreg:$0x7] =	wrdreg $0x9  }
0xb6: {  	_ =	task.clear_ibuf [dreg:s9], $0x8FFFF;
	_ =	strace $0x90000046  }
0xb7: {  	s29 =	simm.s32 $0x9;
	_ =	strace $0x80000048  }
0xb8: {  	_ =	swait.ge [sflag:s29], $0x1  }
0xb9: {  	[sflag:s29] =	ssyncadd.s32 $0xFFFFFFFF  }
0xba: {  	_ =	strace $0x90000048  }
0xbb: {  	_ =	sfence  }
0xbc: {  	s30 =	sld [smem:$0x0];
	_ =	sdelay $0x2  }
0xbd: {  	s31 =	sshll.u32 s1, $0xD;
	s1 =	sshrl.u32 s1, $0x2  }
0xbe: {  	s3 =	sand.u32 $0x4000, s31;
	s1 =	sadd.s32 s1, s30  }
0xbf: {  	s0 =	sor.u32 s3, s0;
	s1 =	sshll.u32 s1, $0x11  }
0xc0: {  	s0 =	sor.u32 s1, s0  }
0xc1: {  	s0 =	sadd.s32 $0x8F2B, s0  }
0xc2: {  	[sflag:s0] =	ssyncadd.remote.s32 $0x1  }
0xc3: {  	_ =	sfence.sel $0xFFFF  }
0xc4: {  	[dreg:$0x0] =	wrdreg $0xFFFFFFFF;
	(pc) =	sbr.abs _section_cstart, $3  }
0xc5: {  	[dreg:$0x1] =	wrdreg $0xFFFFFFFF  }
0xc6: {  	_ =	task.clear_ibuf [dreg:s9], $0x2FFFF;
	_ =	strace $0x9FFFFFFF  }
0xc7: {  	(tm) =	ssettm $0x7FFFFFFF  }
tec
execute0_lowered:
.L_overlay_start_1:
0x0: {  	(tag) =	ssettag $0x1  }
0x1: {  	s1 =	rddreg [dreg:$0x0]  }
0x2: {  	s0 =	rddreg [dreg:$0x1]  }
0x3: {  	s2 =	srdreg.scid;
	s12 =	rddreg [dreg:$0x3]  }
0x4: {  	s3 =	stileid.u32;
	s4 =	rddreg [dreg:$0x4];
	s20 =	simm.s32 $0x0  }
0x5: {  	s16 =	simm.s32 $0x80;
	s2 =	sand.u32 $0x1, s2;
	s5 =	sshll.u32 s3, $0x1  }
0x6: {  	[smem:$0x7FF] =	sst s20;
	s22 =	sadd.s32 $0x4000, s4;
	s9 =	smul.u32 $0xC8000, s3  }
0x7: {  	s23 =	sadd.s32 $0x1C00, s4;
	s24 =	sadd.s32 $0x5C00, s4;
	s25 =	smul.u32 $0x190, s3  }
0x8: {  	s26 =	sadd.s32 $0x3800, s4;
	_ =	strace $0x80000047;
	[dreg:$0x6] =	wrdreg s22  }
0x9: {  	s6 =	sor.u32 s2, s5;
	[dreg:$0x7] =	wrdreg s23;
	s10 =	smul.u32 $0x64000, s2  }
0xa: {  	s8 =	ssub.s32 $0x2, s2;
	[dreg:$0x8] =	wrdreg s24;
	s2 =	smul.u32 $0xC8, s2  }
0xb: {  	s11 =	sadd.s32 $0x6400, s4;
	[dreg:$0x9] =	wrdreg s26;
	s7 =	smul.u32 $0xC80, s6  }
0xc: {  	s21 =	sshrl.u32 s8, $0x1;
	s6 =	smul.u32 $0x320000, s6;
	s15 =	sadd.s32 s10, s9  }
0xd: {  	s1 =	sadd.s32 s7, s1;
	s7 =	ssub.s32 s8, s21;
	s30 =	sadd.s32 s12, s15  }
0xe: {  	s6 =	sshrl.u32 s6, $0x3;
	s1 =	sadd.s32 $0x400, s1;
	[dreg:$0xa] =	wrdreg s30  }
0xf: {  	s6 =	sadd.s32 s12, s6;
	s31 =	smax.u32 s7, $0x1;
	[dreg:$0xc] =	wrdreg s1  }
0x10: {  	s28 =	sadd.s32 $0x63000, s6;
	s1 =	sadd.s32 s2, s25;
	[dreg:$0xf] =	wrdreg s31  }
0x11: {  	s29 =	sadd.s32 $0x63800, s6;
	[dreg:$0xd] =	wrdreg s28;
	s1 =	sshll.u32 s1, $0xB  }
0x12: {  	p0 =	sne.s32 s3, $0x0;
	[dreg:$0xe] =	wrdreg s29;
	s1 =	sadd.s32 s1, s12  }
0x13: {  	s20 =	simm.s32 $0xA400;
	[dreg:$0xb] =	wrdreg s1;
	s1 =	sshrl.u32 @!p0 s4, $0x3  }
0x14: {  	s3 =	simm.s32 $0x0;
	[dreg:$0x10] =	wrdreg s1;
	s1 =	sshrl.u32 @!p0 s11, $0x3  }
0x15: {  	s23 =	simm.s32 $0x1;
	s21 =	simm.s32 $0xE400;
	[dreg:$0x11] =	wrdreg s1  }
.LBB2_1:
0x16: {  	[dreg:$0x12] =	wrdreg s3  }
0x17: {  	s5 =	simm.s32 $0x0;
	s1 =	rddreg [dreg:$0xc];
	s24 =	simm.s32 $0x10  }
0x18: {  	[tilespmem:s5], [sflag:$0x10] =	stream.linear.gather [hbm4b:s1+s5], $0x6400, $0x38;
	[tilespmem:$0x1B080] =	vst v63  }
0x19: {  	_ =	swait.ge [sflag:s24], $0x6400  }
0x1a: {  	[sflag:s24] =	ssyncset.done $0x0  }
0x1b: {  	s2 =	rddreg [dreg:$0x10];
	[sflag:s24] =	ssyncadd.s32 $0xFFFF9C00  }
0x1c: {  	s1 =	simm.s32 @!p0 $0x1C10;
	s3 =	rddreg [dreg:$0x2]  }
0x1d: {  	[spmem:s2], [sflag:s1] =	dma.local @!p0 [hbm:s3], $0xC80  }
0x1e: {  	s17 =	simm.s32 $0x6400;
	s2 =	simm.s32 @!p0 $0x10  }
0x1f: {  	p2 =	por $0x0, $0x0;
	p1 =	por $0x0, $0x0;
	_ =	swait.ge @!p0 [sflag:s2], $0xC80  }
0x20: {  	s10 =	simm.s32 $0xA00;
	p3 =	por $0x1, $0x1;
	[sflag:s2] =	ssyncset.done @!p0 $0x0  }
0x21: {  	s19 =	simm.s32 $0xB;
	s6 =	rddreg [dreg:$0x11];
	[sflag:s2] =	ssyncadd.s32 @!p0 $0xFFFFF380  }
0x22: {  	[spmem:s6], [sflag:s1] =	dma.local @!p0 [hbm:s3], $0xC80  }
0x23: {  	s29 =	simm.s32 $0x0;
	s1 =	smul.u32 @!p2 $0x280, s5;
	_ =	swait.ge @!p0 [sflag:s2], $0xC80  }
0x24: {  	s25 =	simm.s32 $0xC;
	s26 =	simm.s32 $0x80;
	[sflag:s2] =	ssyncset.done @!p0 $0x0  }
0x25: {  	s28 =	simm.s32 $0xD;
	s3 =	sadd.s32 @!p2 $0x280, s1;
	[sflag:s2] =	ssyncadd.s32 @!p0 $0xFFFFF380  }
0x26: {  	s2 =	smul.u32 @p1 $0x280, s5;
	s6 =	sand.u32 @!p2 $0xFF80, s3;
	[bflag:$0x0] =	sbarrier.arrive $0xFFFF  }
0x27: {  	[tilespmem:s17], [sflag:$0xB] =	stream.linear.gather [spmem:s4], $0x4000, $0x38;
	[tilespmem:$0x1B080] =	vst v63  }
0x28: {  	s18 =	simm.s32 @p1 $0x7;
	s6 =	sshrl.u32 @!p2 s6, $0x3;
	s7 =	sadd.s32 @p1 $0x80, s2  }
0x29: {  	p4 =	por p3, p3;
	s6 =	smul.u32 @!p2 $0x147B, s6;
	s8 =	sand.u32 @p1 $0xFF80, s7  }
0x2a: {  	s1 =	sadd.s32 @p1 $0x0, s15;
	s9 =	sadd.s32 @p1 $0x100, s2;
	s2 =	sshrl.u32 @p1 s8, $0x3  }
0x2b: {  	s8 =	sand.u32 @p1 $0xFF80, s9;
	s6 =	sshrl.u32 @!p2 s6, $0x11;
	s12 =	smul.u32 @p1 $0x147B, s2  }
0x2c: {  	s11 =	sadd.s32 @p1 $0x1FFFF000, s1;
	s2 =	sshrl.u32 @p1 s8, $0x3;
	s6 =	smul.u32 @!p2 $0xC8, s6  }
0x2d: {  	s1 =	sadd.s32 @p1 $0x1FFFF800, s1;
	s11 =	sand.u32 @p1 $0x1FFFF800, s11;
	s8 =	smul.u32 @p1 $0x147B, s2  }
0x2e: {  	s2 =	sand.u32 @p1 $0x1FFFF800, s1;
	s1 =	smul.u32 @!p3 $0x280, s5;
	s5 =	rddreg [dreg:$0x3]  }
0x2f: {  	_ =	swait.ge [sflag:s19], $0x4000;
	s12 =	sshrl.u32 @p1 s12, $0x11;
	s13 =	sadd.s32 @p1 s5, s11  }
0x30: {  	[sflag:s19] =	ssyncset.done $0x0;
	s12 =	smul.u32 @p1 $0xC8, s12;
	s8 =	sshrl.u32 @p1 s8, $0x11  }
0x31: {  	s14 =	sadd.s32 @!p3 $0x180, s1;
	[sflag:s19] =	ssyncadd.s32 $0xFFFFC000;
	s8 =	smul.u32 @p1 $0xC8, s8  }
0x32: {  	[tilespmem:s17], [sflag:$0x1] =	stream.indirect.gather.add.f32 [hbm:s0], $0x80, s29, s16, $0xb8;
	[tilespmem:$0x1B080] =	vst v63  }
0x33: {  	s3 =	ssub.s32 @!p2 s3, s6;
	s7 =	ssub.s32 @p1 s7, s12;
	s12 =	sand.u32 @!p3 $0xFF80, s14  }
0x34: {  	_ =	swait.ge @p1 [sflag:s18], $0x4000;
	s8 =	ssub.s32 @p1 s9, s8;
	s9 =	sshrl.u32 @!p3 s12, $0x3  }
0x35: {  	s7 =	sand.u32 @p1 $0xFFF8, s7;
	s12 =	sadd.s32 @!p3 $0x200, s1;
	s9 =	smul.u32 @!p3 $0x147B, s9  }
0x36: {  	[sflag:s18] =	ssyncset.done @p1 $0x0;
	s7 =	sshll.u32 @p1 s7, $0x7;
	s1 =	sand.u32 @p1 $0xFFF8, s8  }
0x37: {  	s8 =	sand.u32 @!p3 $0xFF80, s12;
	s1 =	sshll.u32 @p1 s1, $0x7;
	s9 =	sshrl.u32 @!p3 s9, $0x11  }
0x38: {  	s30 =	sadd.s32 @p1 s1, s4;
	s1 =	sshrl.u32 @!p3 s8, $0x3;
	s9 =	smul.u32 @!p3 $0xC8, s9  }
0x39: {  	[sflag:s18] =	ssyncadd.s32 @p1 $0xFFFFC000;
	s7 =	sadd.s32 @p1 s7, s4;
	s1 =	smul.u32 @!p3 $0x147B, s1  }
0x3a: {  	s8 =	ssub.s32 @!p3 s14, s9;
	s9 =	simm.s32 @p1 $0xA400;
	s14 =	simm.s32 @p1 $0x4  }
0x3b: {  	[tilespmem:s9], [sflag:$0xC] =	stream.linear.gather @p1 [spmem:s7], $0x4000, $0x38;
	[tilespmem:$0x1B080] =	vst v63  }
0x3c: {  	s11 =	simm.s32 @!p3 $0x9;
	s3 =	sand.u32 @!p2 $0xFFF8, s3;
	_ =	swait.ge @p1 [sflag:s14], $0x4000  }
0x3d: {  	s1 =	sshrl.u32 @!p3 s1, $0x11;
	s7 =	sand.u32 @!p3 $0xFFF8, s8;
	[sflag:s14] =	ssyncset.done @p1 $0x0  }
0x3e: {  	s8 =	simm.s32 @p1 $0x12400;
	s9 =	simm.s32 @p1 $0x0;
	[sflag:s14] =	ssyncadd.s32 @p1 $0xFFFFC000  }
0x3f: {  	[hbm4b:s13+s9] =	stream.linear.scatter @p1 [tilespmem:s8], [sflag:$0x9], $0x4000, $0x38;
	[tilespmem:$0x1B080] =	vst v63  }
0x40: {  	s18 =	rddreg [dreg:$0x6];
	s8 =	smul.u32 @!p3 $0xC8, s1;
	s1 =	simm.s32 @!p1 $0xA400  }
0x41: {  	[tilespmem:s1], [sflag:$0xC] =	stream.linear.gather @!p1 [spmem:s18], $0x4000, $0x38;
	[tilespmem:$0x1B080] =	vst v63  }
0x42: {  	s2 =	sadd.s32 @p1 s5, s2;
	s3 =	sshll.u32 @!p2 s3, $0x7;
	_ =	swait.ge [sflag:s25], $0x4000  }
0x43: {  	s29 =	sadd.s32 @!p2 s3, s4;
	s7 =	sshll.u32 @!p3 s7, $0x7;
	[sflag:s25] =	ssyncset.done $0x0  }
0x44: {  	s1 =	sadd.s32 @!p3 s7, s4;
	s7 =	simm.s32 @p1 $0x8;
	[sflag:s25] =	ssyncadd.s32 $0xFFFFC000  }
0x45: {  	[tilespmem:s20], [sflag:$0x2] =	stream.indirect.gather.add.f32 [hbm:s0], $0x80, s26, s16, $0xb8;
	[tilespmem:$0x1B080] =	vst v63  }
0x46: {  	s3 =	simm.s32 @p1 $0xE400;
	s6 =	ssub.s32 @!p3 s12, s8;
	_ =	swait.ge @p1 [sflag:s7], $0x4000  }
0x47: {  	s13 =	simm.s32 $0x1;
	s6 =	sand.u32 @!p3 $0xFFF8, s6;
	[sflag:s7] =	ssyncset.done @p1 $0x0  }
0x48: {  	s8 =	simm.s32 @p1 $0x5;
	s6 =	sshll.u32 @!p3 s6, $0x7;
	[sflag:s7] =	ssyncadd.s32 @p1 $0xFFFFC000  }
0x49: {  	[tilespmem:s3], [sflag:$0xD] =	stream.linear.gather @p1 [spmem:s30], $0x4000, $0x38;
	[tilespmem:$0x1B080] =	vst v63  }
0x4a: {  	s12 =	simm.s32 $0x2800;
	s31 =	sadd.s32 @!p3 s6, s4;
	_ =	swait.ge @p1 [sflag:s8], $0x4000  }
0x4b: {  	p3 =	por p2, p2;
	p2 =	por $0x0, $0x0;
	[sflag:s8] =	ssyncset.done @p1 $0x0  }
0x4c: {  	s7 =	simm.s32 $0x200;
	s3 =	simm.s32 @p1 $0x16400;
	[sflag:s8] =	ssyncadd.s32 @p1 $0xFFFFC000  }
0x4d: {  	[hbm4b:s2+s9] =	stream.linear.scatter @p1 [tilespmem:s3], [sflag:$0xA], $0x4000, $0x38;
	[tilespmem:$0x1B080] =	vst v63  }
0x4e: {  	s30 =	simm.s32 $0x1400;
	s6 =	rddreg [dreg:$0x7];
	s2 =	simm.s32 @!p1 $0xE400  }
0x4f: {  	[tilespmem:s2], [sflag:$0xD] =	stream.linear.gather @!p1 [spmem:s6], $0x4000, $0x38;
	[tilespmem:$0x1B080] =	vst v63  }
0x50: {  	s8 =	simm.s32 $0x180;
	s9 =	simm.s32 $0x100;
	_ =	swait.ge [sflag:s28], $0x4000  }
0x51: {  	p1 =	por $0x1, $0x1;
	s6 =	smul.u32 @!p2 $0x280, s13;
	[sflag:s28] =	ssyncset.done $0x0  }
0x52: {  	s2 =	simm.s32 $0x0;
	s3 =	sadd.s32 @p1 $0x2800, s15;
	[sflag:s28] =	ssyncadd.s32 $0xFFFFC000  }
.LBB2_2:
0x53: {  	[tilespmem:s21], [sflag:$0x3] =	stream.indirect.gather.add.f32 [hbm:s0], $0x80, s9, s16, $0xb8;
	[tilespmem:$0x1B080] =	vst v63  }
0x54: {  	s18 =	sadd.s32 @p1 $0x1FFFF000, s3  }
0x55: {  	s3 =	sadd.s32 @p1 $0x1FFFF800, s3;
	s20 =	smul.u32 @p1 $0x280, s13;
	s19 =	simm.s32 $0x12400  }
0x56: {  	p5 =	seq.s32 s10, $0x0;
	s25 =	smov.u32 s15;
	s26 =	simm.s32 $0x6400  }
0x57: {  	_ =	swait.ge @!p4 [sflag:s11], $0x4000;
	s14 =	sadd.s32 @!p2 $0x280, s6;
	s6 =	sand.u32 @p1 $0x1FFFF800, s3  }
0x58: {  	s17 =	smul.u32 @!p5 $0x280, s13;
	s21 =	rddreg [dreg:$0x8];
	s3 =	sand.u32 @!p2 $0xFF80, s14  }
0x59: {  	[sflag:s11] =	ssyncset.done @!p4 $0x0;
	s24 =	sadd.s32 @p1 $0x80, s20;
	s5 =	sshrl.u32 @!p2 s3, $0x3  }
0x5a: {  	[sflag:s11] =	ssyncadd.s32 @!p4 $0xFFFFC000;
	s3 =	sand.u32 @p1 $0x1FFFF800, s18;
	s1 =	smov.u32 @p4 s21  }
0x5b: {  	[tilespmem:s19], [sflag:$0xE] =	stream.linear.gather [spmem:s1], $0x4000, $0x38;
	[tilespmem:$0x1B080] =	vst v63  }
0x5c: {  	s21 =	simm.s32 @!p4 $0xA;
	s18 =	sadd.s32 @p1 $0x100, s20;
	s22 =	rddreg [dreg:$0x3]  }
0x5d: {  	s1 =	smul.u32 @!p2 $0x147B, s5;
	s5 =	sand.u32 @p1 $0xFF80, s24;
	s11 =	sand.u32 @p1 $0xFF80, s18  }
0x5e: {  	_ =	swait.ge [sflag:s23], $0x4000;
	s5 =	sshrl.u32 @p1 s5, $0x3;
	s15 =	sshrl.u32 @p1 s11, $0x3  }
0x5f: {  	s28 =	rddreg [dreg:$0xa];
	s5 =	smul.u32 @p1 $0x147B, s5;
	[sflag:s23] =	ssyncset.done $0x0  }
0x60: {  	s15 =	smul.u32 @p1 $0x147B, s15;
	s20 =	sadd.s32 s2, s28;
	[sflag:s23] =	ssyncadd.s32 $0xFFFFC000  }
0x61: {  	s23 =	simm.s32 $0x0;
	s28 =	simm.s32 $0xE;
	s5 =	sshrl.u32 @p1 s5, $0x11  }
0x62: {  	[hbm4b:s20+s23] =	stream.linear.scatter [tilespmem:s26], [sflag:$0x6], $0x4000, $0x38;
	[tilespmem:$0x1B080] =	vst v63  }
0x63: {  	s15 =	sshrl.u32 @p1 s15, $0x11;
	s5 =	smul.u32 @p1 $0xC8, s5;
	_ =	swait.ge [sflag:s28], $0x4000  }
0x64: {  	s20 =	sadd.s32 @!p5 $0x180, s17;
	s15 =	smul.u32 @p1 $0xC8, s15;
	[sflag:s28] =	ssyncset.done $0x0  }
0x65: {  	s5 =	ssub.s32 @p1 s24, s5;
	s24 =	sand.u32 @!p5 $0xFF80, s20;
	[sflag:s28] =	ssyncadd.s32 $0xFFFFC000  }
0x66: {  	[tilespmem:s19], [sflag:$0x4] =	stream.indirect.gather.add.f32 [hbm:s0], $0x80, s8, s16, $0xb8;
	[tilespmem:$0x1B080] =	vst v63  }
0x67: {  	s28 =	simm.s32 $0x16400;
	s5 =	sand.u32 @p1 $0xFFF8, s5;
	_ =	swait.ge @!p4 [sflag:s21], $0x4000  }
0x68: {  	s8 =	ssub.s32 @p1 s18, s15;
	s5 =	sshll.u32 @p1 s5, $0x7;
	s15 =	rddreg [dreg:$0x9]  }
0x69: {  	s18 =	sadd.s32 @p1 s5, s4;
	s5 =	sshrl.u32 @!p5 s24, $0x3;
	[sflag:s21] =	ssyncset.done @!p4 $0x0  }
0x6a: {  	s5 =	smul.u32 @!p5 $0x147B, s5;
	[sflag:s21] =	ssyncadd.s32 @!p4 $0xFFFFC000;
	s31 =	smov.u32 @p4 s15  }
0x6b: {  	[tilespmem:s28], [sflag:$0xF] =	stream.linear.gather [spmem:s31], $0x4000, $0x38;
	[tilespmem:$0x1B080] =	vst v63  }
0x6c: {  	s1 =	sshrl.u32 @!p2 s1, $0x11;
	s17 =	sadd.s32 @!p5 $0x200, s17;
	s31 =	simm.s32 $0x2  }
0x6d: {  	s24 =	smul.u32 @!p2 $0xC8, s1;
	s5 =	sshrl.u32 @!p5 s5, $0x11;
	_ =	swait.ge [sflag:s31], $0x4000  }
0x6e: {  	s5 =	smul.u32 @!p5 $0xC8, s5;
	s15 =	rddreg [dreg:$0xb];
	[sflag:s31] =	ssyncset.done $0x0  }
0x6f: {  	[sflag:s31] =	ssyncadd.s32 $0xFFFFC000;
	s2 =	sadd.s32 s2, s15;
	s31 =	simm.s32 $0xF  }
0x70: {  	s1 =	ssub.s32 @!p5 s20, s5;
	s15 =	sadd.s32 $0x800, s2;
	s20 =	simm.s32 $0xA400  }
0x71: {  	[hbm4b:s15+s23] =	stream.linear.scatter [tilespmem:s20], [sflag:$0x7], $0x4000, $0x38;
	[tilespmem:$0x1B080] =	vst v63  }
0x72: {  	s21 =	sand.u32 @!p5 $0xFF80, s17;
	_ =	swait.ge [sflag:s31], $0x4000  }
0x73: {  	s9 =	smov.u32 s30;
	s21 =	sshrl.u32 @!p5 s21, $0x3;
	[sflag:s31] =	ssyncset.done $0x0  }
0x74: {  	s5 =	smul.u32 @!p5 $0x147B, s21;
	s15 =	simm.s32 @!p3 $0x6;
	[sflag:s31] =	ssyncadd.s32 $0xFFFFC000  }
0x75: {  	[tilespmem:s28], [sflag:$0x5] =	stream.indirect.gather.add.f32 [hbm:s0], $0x80, s7, s16, $0xb8;
	[tilespmem:$0x1B080] =	vst v63  }
0x76: {  	s30 =	sadd.s32 $0xA00, s30;
	s19 =	simm.s32 @!p3 $0x6400;
	_ =	swait.ge @!p3 [sflag:s15], $0x4000  }
0x77: {  	s14 =	ssub.s32 @!p2 s14, s24;
	s5 =	sshrl.u32 @!p5 s5, $0x11;
	[sflag:s15] =	ssyncset.done @!p3 $0x0  }
0x78: {  	s24 =	simm.s32 $0x3;
	s5 =	smul.u32 @!p5 $0xC8, s5;
	[sflag:s15] =	ssyncadd.s32 @!p3 $0xFFFFC000  }
0x79: {  	[tilespmem:s19], [sflag:$0xB] =	stream.linear.gather @!p3 [spmem:s29], $0x4000, $0x38;
	[tilespmem:$0x1B080] =	vst v63  }
0x7a: {  	s14 =	sand.u32 @!p2 $0xFFF8, s14;
	s21 =	simm.s32 $0xE400;
	_ =	swait.ge [sflag:s24], $0x4000  }
0x7b: {  	s5 =	ssub.s32 @!p5 s17, s5;
	s7 =	sshll.u32 @!p2 s14, $0x7;
	[sflag:s24] =	ssyncset.done $0x0  }
0x7c: {  	s14 =	sadd.s32 $0x1000, s2;
	s15 =	simm.s32 $0xB;
	[sflag:s24] =	ssyncadd.s32 $0xFFFFC000  }
0x7d: {  	[hbm4b:s14+s23] =	stream.linear.scatter [tilespmem:s21], [sflag:$0x8], $0x4000, $0x38;
	[tilespmem:$0x1B080] =	vst v63  }
0x7e: {  	p6 =	sne.s32 s30, $0x19000;
	s5 =	sand.u32 @!p5 $0xFFF8, s5;
	_ =	swait.ge [sflag:s15], $0x4000  }
0x7f: {  	s17 =	sshra.s32 s10, $0x2;
	s5 =	sshll.u32 @!p5 s5, $0x7;
	[sflag:s15] =	ssyncset.done $0x0  }
0x80: {  	s31 =	sadd.s32 @!p5 s5, s4;
	s5 =	simm.s32 @p1 $0x7;
	[sflag:s15] =	ssyncadd.s32 $0xFFFFC000  }
0x81: {  	[tilespmem:s26], [sflag:$0x1] =	stream.indirect.gather.add.f32 [hbm:s0], $0x80, s17, s16, $0xb8;
	[tilespmem:$0x1B080] =	vst v63  }
0x82: {  	s13 =	sadd.s32 $0x1, s13;
	s10 =	smov.u32 s9;
	_ =	swait.ge @p1 [sflag:s5], $0x4000  }
0x83: {  	s9 =	simm.s32 @p1 $0x4;
	s7 =	sadd.s32 @!p2 s7, s4;
	[sflag:s5] =	ssyncset.done @p1 $0x0  }
0x84: {  	s29 =	smov.u32 s7;
	s7 =	simm.s32 @p1 $0xA400;
	[sflag:s5] =	ssyncadd.s32 @p1 $0xFFFFC000  }
0x85: {  	[tilespmem:s7], [sflag:$0xC] =	stream.linear.gather @p1 [spmem:s18], $0x4000, $0x38;
	[tilespmem:$0x1B080] =	vst v63  }
0x86: {  	s3 =	sadd.s32 @p1 s22, s3;
	s8 =	sand.u32 @p1 $0xFFF8, s8;
	_ =	swait.ge @p1 [sflag:s9], $0x4000  }
0x87: {  	s11 =	simm.s32 @!p5 $0x9;
	s8 =	sshll.u32 @p1 s8, $0x7;
	[sflag:s9] =	ssyncset.done @p1 $0x0  }
0x88: {  	s5 =	simm.s32 @p1 $0x12400;
	s7 =	simm.s32 @p1 $0x0;
	[sflag:s9] =	ssyncadd.s32 @p1 $0xFFFFC000  }
0x89: {  	[hbm4b:s3+s7] =	stream.linear.scatter @p1 [tilespmem:s5], [sflag:$0x9], $0x4000, $0x38;
	[tilespmem:$0x1B080] =	vst v63  }
0x8a: {  	s19 =	simm.s32 $0xC;
	s15 =	rddreg [dreg:$0x6];
	s3 =	simm.s32 @!p1 $0xA400  }
0x8b: {  	[tilespmem:s3], [sflag:$0xC] =	stream.linear.gather @!p1 [spmem:s15], $0x4000, $0x38;
	[tilespmem:$0x1B080] =	vst v63  }
0x8c: {  	s8 =	sadd.s32 @p1 s8, s4;
	s1 =	sand.u32 @!p5 $0xFFF8, s1;
	_ =	swait.ge [sflag:s19], $0x4000  }
0x8d: {  	p4 =	por p5, p5;
	s1 =	sshll.u32 @!p5 s1, $0x7;
	[sflag:s19] =	ssyncset.done $0x0  }
0x8e: {  	s26 =	sadd.s32 $0x80, s17;
	s3 =	simm.s32 @p1 $0x8;
	[sflag:s19] =	ssyncadd.s32 $0xFFFFC000  }
0x8f: {  	[tilespmem:s20], [sflag:$0x2] =	stream.indirect.gather.add.f32 [hbm:s0], $0x80, s26, s16, $0xb8;
	[tilespmem:$0x1B080] =	vst v63  }
0x90: {  	s1 =	sadd.s32 @!p5 s1, s4;
	s2 =	smov.u32 s12;
	_ =	swait.ge @p1 [sflag:s3], $0x4000  }
0x91: {  	s12 =	sadd.s32 $0x2800, s12;
	s28 =	simm.s32 $0xD;
	[sflag:s3] =	ssyncset.done @p1 $0x0  }
0x92: {  	s9 =	simm.s32 @p1 $0x5;
	s5 =	simm.s32 @p1 $0xE400;
	[sflag:s3] =	ssyncadd.s32 @p1 $0xFFFFC000  }
0x93: {  	[tilespmem:s5], [sflag:$0xD] =	stream.linear.gather @p1 [spmem:s8], $0x4000, $0x38;
	[tilespmem:$0x1B080] =	vst v63  }
0x94: {  	p3 =	por p2, p2;
	p2 =	seq.s32 s10, $0x18600;
	_ =	swait.ge @p1 [sflag:s9], $0x4000  }
0x95: {  	s23 =	simm.s32 $0x1;
	s15 =	smov.u32 s25;
	[sflag:s9] =	ssyncset.done @p1 $0x0  }
0x96: {  	s3 =	simm.s32 @p1 $0x16400;
	s5 =	sadd.s32 @p1 s22, s6;
	[sflag:s9] =	ssyncadd.s32 @p1 $0xFFFFC000  }
0x97: {  	[hbm4b:s5+s7] =	stream.linear.scatter @p1 [tilespmem:s3], [sflag:$0xA], $0x4000, $0x38;
	[tilespmem:$0x1B080] =	vst v63  }
.Ltmp0:
0x98: {  	s6 =	rddreg [dreg:$0x7];
	s3 =	simm.s32 @!p1 $0xE400;
	(pc) =	sbr.rel @p6 .LBB2_2-.Ltmp0, $4  }
0x99: {  	[tilespmem:s3], [sflag:$0xD] =	stream.linear.gather @!p1 [spmem:s6], $0x4000, $0x38;
	[tilespmem:$0x1B080] =	vst v63  }
0x9a: {  	s8 =	sadd.s32 $0x180, s17;
	s9 =	sadd.s32 $0x100, s17;
	_ =	swait.ge [sflag:s28], $0x4000  }
0x9b: {  	s7 =	sadd.s32 $0x200, s17;
	p1 =	sne.s32 s10, $0x0;
	[sflag:s28] =	ssyncset.done $0x0  }
0x9c: {  	s6 =	smul.u32 @!p2 $0x280, s13;
	s3 =	sadd.s32 @p1 s12, s25;
	[sflag:s28] =	ssyncadd.s32 $0xFFFFC000  }
0x9d: {  	[tilespmem:s21], [sflag:$0x3] =	stream.indirect.gather.add.f32 [hbm:s0], $0x80, s9, s16, $0xb8;
	[tilespmem:$0x1B080] =	vst v63  }
0x9e: {  	_ =	swait.ge @!p4 [sflag:s11], $0x4000  }
0x9f: {  	s5 =	rddreg [dreg:$0x8];
	[sflag:s11] =	ssyncset.done @!p4 $0x0  }
0xa0: {  	s19 =	simm.s32 $0x12400;
	[sflag:s11] =	ssyncadd.s32 @!p4 $0xFFFFC000;
	s1 =	smov.u32 @p4 s5  }
0xa1: {  	[tilespmem:s19], [sflag:$0xE] =	stream.linear.gather [spmem:s1], $0x4000, $0x38;
	[tilespmem:$0x1B080] =	vst v63  }
0xa2: {  	s14 =	simm.s32 $0x0;
	_ =	swait.ge [sflag:s23], $0x4000  }
0xa3: {  	s17 =	simm.s32 $0x6400;
	s5 =	rddreg [dreg:$0xa];
	[sflag:s23] =	ssyncset.done $0x0  }
0xa4: {  	s20 =	simm.s32 $0xE;
	s1 =	sadd.s32 s2, s5;
	[sflag:s23] =	ssyncadd.s32 $0xFFFFC000  }
0xa5: {  	[hbm4b:s1+s14] =	stream.linear.scatter [tilespmem:s17], [sflag:$0x6], $0x4000, $0x38;
	[tilespmem:$0x1B080] =	vst v63  }
0xa6: {  	_ =	swait.ge [sflag:s20], $0x4000  }
0xa7: {  	[sflag:s20] =	ssyncset.done $0x0  }
0xa8: {  	s1 =	simm.s32 @!p4 $0xA;
	[sflag:s20] =	ssyncadd.s32 $0xFFFFC000  }
0xa9: {  	[tilespmem:s19], [sflag:$0x4] =	stream.indirect.gather.add.f32 [hbm:s0], $0x80, s8, s16, $0xb8;
	[tilespmem:$0x1B080] =	vst v63  }
0xaa: {  	_ =	swait.ge @!p4 [sflag:s1], $0x4000  }
0xab: {  	s25 =	simm.s32 $0x16400;
	s5 =	rddreg [dreg:$0x9];
	[sflag:s1] =	ssyncset.done @!p4 $0x0  }
0xac: {  	s26 =	simm.s32 $0x2;
	[sflag:s1] =	ssyncadd.s32 @!p4 $0xFFFFC000;
	s31 =	smov.u32 @p4 s5  }
0xad: {  	[tilespmem:s25], [sflag:$0xF] =	stream.linear.gather [spmem:s31], $0x4000, $0x38;
	[tilespmem:$0x1B080] =	vst v63  }
0xae: {  	_ =	swait.ge [sflag:s26], $0x4000  }
0xaf: {  	s9 =	rddreg [dreg:$0xb]  }
0xb0: {  	s18 =	simm.s32 $0xA400;
	[sflag:s26] =	ssyncset.done $0x0;
	s1 =	sadd.s32 s2, s9  }
0xb1: {  	s22 =	simm.s32 $0xF;
	[sflag:s26] =	ssyncadd.s32 $0xFFFFC000;
	s2 =	sadd.s32 $0x800, s1  }
0xb2: {  	[hbm4b:s2+s14] =	stream.linear.scatter [tilespmem:s18], [sflag:$0x7], $0x4000, $0x38;
	[tilespmem:$0x1B080] =	vst v63  }
0xb3: {  	s2 =	smul.u32 @p1 $0x280, s13;
	_ =	swait.ge [sflag:s22], $0x4000  }
0xb4: {  	[sflag:s22] =	ssyncset.done $0x0  }
0xb5: {  	s8 =	simm.s32 @!p3 $0x6;
	s5 =	sadd.s32 @p1 $0x80, s2;
	[sflag:s22] =	ssyncadd.s32 $0xFFFFC000  }
0xb6: {  	[tilespmem:s25], [sflag:$0x5] =	stream.indirect.gather.add.f32 [hbm:s0], $0x80, s7, s16, $0xb8;
	[tilespmem:$0x1B080] =	vst v63  }
0xb7: {  	s7 =	sand.u32 @p1 $0xFF80, s5;
	_ =	swait.ge @!p3 [sflag:s8], $0x4000  }
0xb8: {  	s7 =	sshrl.u32 @p1 s7, $0x3;
	[sflag:s8] =	ssyncset.done @!p3 $0x0  }
0xb9: {  	s7 =	smul.u32 @p1 $0x147B, s7;
	[sflag:s8] =	ssyncadd.s32 @!p3 $0xFFFFC000;
	s8 =	simm.s32 @!p3 $0x6400  }
0xba: {  	[tilespmem:s8], [sflag:$0xB] =	stream.linear.gather @!p3 [spmem:s29], $0x4000, $0x38;
	[tilespmem:$0x1B080] =	vst v63  }
0xbb: {  	_ =	swait.ge [sflag:s24], $0x4000  }
0xbc: {  	s11 =	simm.s32 $0xB;
	s7 =	sshrl.u32 @p1 s7, $0x11;
	[sflag:s24] =	ssyncset.done $0x0  }
0xbd: {  	s1 =	sadd.s32 $0x1000, s1;
	s7 =	smul.u32 @p1 $0xC8, s7;
	[sflag:s24] =	ssyncadd.s32 $0xFFFFC000  }
0xbe: {  	[hbm4b:s1+s14] =	stream.linear.scatter [tilespmem:s21], [sflag:$0x8], $0x4000, $0x38;
	[tilespmem:$0x1B080] =	vst v63  }
0xbf: {  	_ =	swait.ge [sflag:s11], $0x4000  }
0xc0: {  	s1 =	ssub.s32 @p1 s5, s7;
	s7 =	simm.s32 @p1 $0x7;
	[sflag:s11] =	ssyncset.done $0x0  }
0xc1: {  	s5 =	sand.u32 @p1 $0xFFF8, s1;
	s1 =	sshra.s32 s10, $0x2;
	[sflag:s11] =	ssyncadd.s32 $0xFFFFC000  }
0xc2: {  	[tilespmem:s17], [sflag:$0x1] =	stream.indirect.gather.add.f32 [hbm:s0], $0x80, s1, s16, $0xb8;
	[tilespmem:$0x1B080] =	vst v63  }
0xc3: {  	s9 =	simm.s32 @p1 $0xA400;
	_ =	swait.ge @p1 [sflag:s7], $0x4000  }
0xc4: {  	s8 =	sadd.s32 @p1 $0x1FFFF000, s3;
	s5 =	sshll.u32 @p1 s5, $0x7;
	[sflag:s7] =	ssyncset.done @p1 $0x0  }
0xc5: {  	s5 =	sadd.s32 @p1 s5, s4;
	[sflag:s7] =	ssyncadd.s32 @p1 $0xFFFFC000;
	s7 =	simm.s32 @p1 $0x4  }
0xc6: {  	[tilespmem:s9], [sflag:$0xC] =	stream.linear.gather @p1 [spmem:s5], $0x4000, $0x38;
	[tilespmem:$0x1B080] =	vst v63  }
0xc7: {  	s5 =	sand.u32 @p1 $0x1FFFF800, s8;
	_ =	swait.ge @p1 [sflag:s7], $0x4000  }
0xc8: {  	s8 =	simm.s32 @p1 $0x12400;
	s11 =	rddreg [dreg:$0x3];
	[sflag:s7] =	ssyncset.done @p1 $0x0  }
0xc9: {  	s9 =	simm.s32 @p1 $0x0;
	s5 =	sadd.s32 @p1 s11, s5;
	[sflag:s7] =	ssyncadd.s32 @p1 $0xFFFFC000  }
0xca: {  	[hbm4b:s5+s9] =	stream.linear.scatter @p1 [tilespmem:s8], [sflag:$0x9], $0x4000, $0x38;
	[tilespmem:$0x1B080] =	vst v63  }
0xcb: {  	s2 =	sadd.s32 @p1 $0x100, s2;
	s7 =	rddreg [dreg:$0x6];
	s5 =	simm.s32 @!p1 $0xA400  }
0xcc: {  	[tilespmem:s5], [sflag:$0xC] =	stream.linear.gather @!p1 [spmem:s7], $0x4000, $0x38;
	[tilespmem:$0x1B080] =	vst v63  }
0xcd: {  	s5 =	sand.u32 @p1 $0xFF80, s2  }
0xce: {  	s5 =	sshrl.u32 @p1 s5, $0x3  }
0xcf: {  	s28 =	simm.s32 $0xC;
	s5 =	smul.u32 @p1 $0x147B, s5  }
0xd0: {  	_ =	swait.ge [sflag:s28], $0x4000  }
0xd1: {  	[sflag:s28] =	ssyncset.done $0x0;
	s5 =	sshrl.u32 @p1 s5, $0x11  }
0xd2: {  	s29 =	sadd.s32 $0x80, s1;
	[sflag:s28] =	ssyncadd.s32 $0xFFFFC000;
	s5 =	smul.u32 @p1 $0xC8, s5  }
0xd3: {  	[tilespmem:s18], [sflag:$0x2] =	stream.indirect.gather.add.f32 [hbm:s0], $0x80, s29, s16, $0xb8;
	[tilespmem:$0x1B080] =	vst v63  }
0xd4: {  	s2 =	ssub.s32 @p1 s2, s5;
	s5 =	simm.s32 @p1 $0x8  }
0xd5: {  	s2 =	sand.u32 @p1 $0xFFF8, s2;
	_ =	swait.ge @p1 [sflag:s5], $0x4000  }
0xd6: {  	s2 =	sshll.u32 @p1 s2, $0x7;
	[sflag:s5] =	ssyncset.done @p1 $0x0  }
0xd7: {  	s2 =	sadd.s32 @p1 s2, s4;
	[sflag:s5] =	ssyncadd.s32 @p1 $0xFFFFC000;
	s5 =	simm.s32 @p1 $0xE400  }
0xd8: {  	[tilespmem:s5], [sflag:$0xD] =	stream.linear.gather @p1 [spmem:s2], $0x4000, $0x38;
	[tilespmem:$0x1B080] =	vst v63  }
0xd9: {  	s2 =	sadd.s32 @p1 $0x1FFFF800, s3;
	s3 =	simm.s32 @p1 $0x5  }
0xda: {  	p3 =	seq.s32 s10, $0x0;
	_ =	swait.ge @p1 [sflag:s3], $0x4000  }
0xdb: {  	s7 =	simm.s32 @p1 $0x16400;
	s2 =	sand.u32 @p1 $0x1FFFF800, s2;
	[sflag:s3] =	ssyncset.done @p1 $0x0  }
0xdc: {  	s5 =	smul.u32 @!p3 $0x280, s13;
	s2 =	sadd.s32 @p1 s11, s2;
	[sflag:s3] =	ssyncadd.s32 @p1 $0xFFFFC000  }
0xdd: {  	[hbm4b:s2+s9] =	stream.linear.scatter @p1 [tilespmem:s7], [sflag:$0xA], $0x4000, $0x38;
	[tilespmem:$0x1B080] =	vst v63  }
0xde: {  	s3 =	rddreg [dreg:$0x7];
	s2 =	sadd.s32 @!p3 $0x180, s5;
	s7 =	simm.s32 @!p1 $0xE400  }
0xdf: {  	[tilespmem:s7], [sflag:$0xD] =	stream.linear.gather @!p1 [spmem:s3], $0x4000, $0x38;
	[tilespmem:$0x1B080] =	vst v63  }
0xe0: {  	s3 =	sand.u32 @!p3 $0xFF80, s2  }
0xe1: {  	s3 =	sshrl.u32 @!p3 s3, $0x3  }
0xe2: {  	s30 =	simm.s32 $0xD;
	s3 =	smul.u32 @!p3 $0x147B, s3  }
0xe3: {  	_ =	swait.ge [sflag:s30], $0x4000  }
0xe4: {  	[sflag:s30] =	ssyncset.done $0x0;
	s3 =	sshrl.u32 @!p3 s3, $0x11  }
0xe5: {  	s31 =	sadd.s32 $0x100, s1;
	[sflag:s30] =	ssyncadd.s32 $0xFFFFC000;
	s3 =	smul.u32 @!p3 $0xC8, s3  }
0xe6: {  	[tilespmem:s21], [sflag:$0x3] =	stream.indirect.gather.add.f32 [hbm:s0], $0x80, s31, s16, $0xb8;
	[tilespmem:$0x1B080] =	vst v63  }
0xe7: {  	s2 =	ssub.s32 @!p3 s2, s3  }
0xe8: {  	s7 =	simm.s32 @!p3 $0x9;
	p1 =	por p3, p3;
	s2 =	sand.u32 @!p3 $0xFFF8, s2  }
0xe9: {  	_ =	swait.ge @!p1 [sflag:s7], $0x4000;
	s2 =	sshll.u32 @!p3 s2, $0x7  }
0xea: {  	[sflag:s7] =	ssyncset.done @!p1 $0x0;
	s3 =	rddreg [dreg:$0x8];
	s2 =	sadd.s32 @!p3 s2, s4  }
0xeb: {  	[sflag:s7] =	ssyncadd.s32 @!p1 $0xFFFFC000;
	s2 =	smov.u32 @p1 s3  }
0xec: {  	[tilespmem:s19], [sflag:$0xE] =	stream.linear.gather [spmem:s2], $0x4000, $0x38;
	[tilespmem:$0x1B080] =	vst v63  }
0xed: {  	s2 =	sadd.s32 @!p3 $0x200, s5  }
0xee: {  	_ =	swait.ge [sflag:s23], $0x4000;
	s5 =	sand.u32 @!p3 $0xFF80, s2  }
0xef: {  	s9 =	rddreg [dreg:$0xa];
	s5 =	sshrl.u32 @!p3 s5, $0x3;
	[sflag:s23] =	ssyncset.done $0x0  }
0xf0: {  	s5 =	smul.u32 @!p3 $0x147B, s5;
	s3 =	sadd.s32 s12, s9;
	[sflag:s23] =	ssyncadd.s32 $0xFFFFC000  }
0xf1: {  	[hbm4b:s3+s14] =	stream.linear.scatter [tilespmem:s17], [sflag:$0x6], $0x4000, $0x38;
	[tilespmem:$0x1B080] =	vst v63  }
0xf2: {  	_ =	swait.ge [sflag:s20], $0x4000  }
0xf3: {  	s3 =	sshrl.u32 @!p3 s5, $0x11;
	[sflag:s20] =	ssyncset.done $0x0  }
0xf4: {  	s10 =	sadd.s32 $0x180, s1;
	s3 =	smul.u32 @!p3 $0xC8, s3;
	[sflag:s20] =	ssyncadd.s32 $0xFFFFC000  }
0xf5: {  	[tilespmem:s19], [sflag:$0x4] =	stream.indirect.gather.add.f32 [hbm:s0], $0x80, s10, s16, $0xb8;
	[tilespmem:$0x1B080] =	vst v63  }
0xf6: {  	s2 =	ssub.s32 @!p3 s2, s3  }
0xf7: {  	s5 =	simm.s32 @!p1 $0xA;
	s2 =	sand.u32 @!p3 $0xFFF8, s2  }
0xf8: {  	_ =	swait.ge @!p1 [sflag:s5], $0x4000;
	s2 =	sshll.u32 @!p3 s2, $0x7  }
0xf9: {  	s3 =	rddreg [dreg:$0x9];
	[sflag:s5] =	ssyncset.done @!p1 $0x0;
	s2 =	sadd.s32 @!p3 s2, s4  }
0xfa: {  	[sflag:s5] =	ssyncadd.s32 @!p1 $0xFFFFC000;
	s2 =	smov.u32 @p1 s3  }
0xfb: {  	[tilespmem:s25], [sflag:$0xF] =	stream.linear.gather [spmem:s2], $0x4000, $0x38;
	[tilespmem:$0x1B080] =	vst v63  }
0xfc: {  	_ =	swait.ge [sflag:s26], $0x4000  }
0xfd: {  	s11 =	rddreg [dreg:$0xb]  }
0xfe: {  	[sflag:s26] =	ssyncset.done $0x0;
	s2 =	sadd.s32 s12, s11  }
0xff: {  	s3 =	sadd.s32 @!p2 $0x280, s6;
	[sflag:s26] =	ssyncadd.s32 $0xFFFFC000;
	s12 =	sadd.s32 $0x800, s2  }
0x100: {  	[hbm4b:s12+s14] =	stream.linear.scatter [tilespmem:s18], [sflag:$0x7], $0x4000, $0x38;
	[tilespmem:$0x1B080] =	vst v63  }
0x101: {  	s5 =	sand.u32 @!p2 $0xFF80, s3;
	_ =	swait.ge [sflag:s22], $0x4000  }
0x102: {  	s5 =	sshrl.u32 @!p2 s5, $0x3;
	[sflag:s22] =	ssyncset.done $0x0  }
0x103: {  	s1 =	sadd.s32 $0x200, s1;
	s5 =	smul.u32 @!p2 $0x147B, s5;
	[sflag:s22] =	ssyncadd.s32 $0xFFFFC000  }
0x104: {  	[tilespmem:s25], [sflag:$0x5] =	stream.indirect.gather.add.f32 [hbm:s0], $0x80, s1, s16, $0xb8;
	[tilespmem:$0x1B080] =	vst v63  }
0x105: {  	s1 =	sshrl.u32 @!p2 s5, $0x11  }
0x106: {  	s1 =	smul.u32 @!p2 $0xC8, s1  }
0x107: {  	p1 =	por p2, p2  }
0x108: {  	s1 =	ssub.s32 @!p2 s3, s1;
	s3 =	simm.s32 @!p1 $0x6  }
0x109: {  	s1 =	sand.u32 @!p2 $0xFFF8, s1;
	_ =	swait.ge @!p1 [sflag:s3], $0x4000  }
0x10a: {  	s1 =	sshll.u32 @!p2 s1, $0x7;
	[sflag:s3] =	ssyncset.done @!p1 $0x0  }
0x10b: {  	s1 =	sadd.s32 @!p2 s1, s4;
	[sflag:s3] =	ssyncadd.s32 @!p1 $0xFFFFC000;
	s3 =	simm.s32 @!p1 $0x6400  }
0x10c: {  	[tilespmem:s3], [sflag:$0xB] =	stream.linear.gather @!p1 [spmem:s1], $0x4000, $0x38;
	[tilespmem:$0x1B080] =	vst v63  }
0x10d: {  	_ =	swait.ge [sflag:s24], $0x4000  }
0x10e: {  	[sflag:s24] =	ssyncset.done $0x0  }
0x10f: {  	s17 =	simm.s32 $0x4;
	s13 =	sadd.s32 $0x1000, s2;
	[sflag:s24] =	ssyncadd.s32 $0xFFFFC000  }
0x110: {  	[hbm4b:s13+s14] =	stream.linear.scatter [tilespmem:s21], [sflag:$0x8], $0x4000, $0x38;
	[tilespmem:$0x1B080] =	vst v63  }
0x111: {  	_ =	swait.ge [sflag:s17], $0x4000  }
0x112: {  	[sflag:s17] =	ssyncset.done $0x0  }
0x113: {  	s18 =	rddreg [dreg:$0xd];
	[sflag:s17] =	ssyncadd.s32 $0xFFFFC000  }
0x114: {  	[hbm4b:s18+s14] =	stream.linear.scatter [tilespmem:s19], [sflag:$0x9], $0x4000, $0x38;
	[tilespmem:$0x1B080] =	vst v63  }
0x115: {  	s19 =	simm.s32 $0x5  }
0x116: {  	_ =	swait.ge [sflag:s19], $0x4000  }
0x117: {  	[sflag:s19] =	ssyncset.done $0x0  }
0x118: {  	s24 =	simm.s32 $0x6;
	s22 =	rddreg [dreg:$0xe];
	[sflag:s19] =	ssyncadd.s32 $0xFFFFC000  }
0x119: {  	[hbm4b:s22+s14] =	stream.linear.scatter [tilespmem:s25], [sflag:$0xA], $0x4000, $0x38;
	[tilespmem:$0x1B080] =	vst v63  }
0x11a: {  	_ =	swait.ge [sflag:s24], $0x4000  }
0x11b: {  	[sflag:s24] =	ssyncset.done $0x0  }
0x11c: {  	s25 =	simm.s32 $0x7;
	[sflag:s24] =	ssyncadd.s32 $0xFFFFC000  }
0x11d: {  	_ =	swait.ge [sflag:s25], $0x4000  }
0x11e: {  	[sflag:s25] =	ssyncset.done $0x0  }
0x11f: {  	s26 =	simm.s32 $0x8;
	[sflag:s25] =	ssyncadd.s32 $0xFFFFC000  }
0x120: {  	_ =	swait.ge [sflag:s26], $0x4000  }
0x121: {  	[sflag:s26] =	ssyncset.done $0x0  }
0x122: {  	s28 =	simm.s32 $0x9;
	[sflag:s26] =	ssyncadd.s32 $0xFFFFC000  }
0x123: {  	_ =	swait.ge [sflag:s28], $0x4000  }
0x124: {  	[sflag:s28] =	ssyncset.done $0x0  }
0x125: {  	s29 =	simm.s32 $0xA;
	[sflag:s28] =	ssyncadd.s32 $0xFFFFC000  }
0x126: {  	_ =	swait.ge [sflag:s29], $0x4000  }
0x127: {  	s30 =	rddreg [dreg:$0x12]  }
0x128: {  	s31 =	rddreg [dreg:$0xf];
	s3 =	sadd.s32 $0x1, s30  }
0x129: {  	p1 =	sne.s32 s3, s31  }
.Ltmp1:
0x12a: {  	_ = 	snop;
	(pc) =	sbr.rel @p1 .LBB2_1-.Ltmp1, $3  }
0x12b: {  	_ =	sdelay $0x1  }
0x12c: {  	[sflag:s29] =	ssyncset.done $0x0  }
0x12d: {  	s20 =	simm.s32 $0xA400;
	[sflag:s29] =	ssyncadd.s32 $0xFFFFC000  }
0x12e: {  	_ =	sfence.sel $0x180000  }
0x12f: {  	[bflag:$0x0] =	sbarrier.arrive $0xFFFF  }
0x130: {  	_ =	strace $0x90000047  }
0x131: {  	[bflag:$0x2] =	sbarrier.arrive $0xFFFF  }
0x132: {  	s0 =	rddreg [dreg:$0x5]  }
0x133: {  	s0 =	sadd.s32 @!p0 $0x100000, s0  }
0x134: {  	[sflag:s0] =	ssyncadd.tile.s32 @!p0 $0x1;
	_ =	shalt  }
.Lfunc_end2:
_tile_overlayer_lowered:
.L_overlay_start_2:
0x135: {  	(tag) =	ssettag $0x2  }
0x136: {  	s0 =	rddreg [dreg:$0x0];
	s2 =	stileid.u32  }
0x137: {  	s1 =	rddreg [dreg:$0x1];
	p0 =	sne.s32 s2, $0x0  }
0x138: {  	s3 =	rddreg [dreg:$0x2];
	[bflag:$0x3] =	sbarrier.arrive $0xFFFF;
	s2 =	simm.s32 @!p0 $0x1C10  }
0x139: {  	[timem:s3], [sflag:s2] =	dma.local @!p0 [hbm:s0], s1  }
0x13a: {  	s0 =	simm.s32 @!p0 $0x10  }
0x13b: {  	_ =	swait.ge @!p0 [sflag:s0], s1  }
0x13c: {  	s1 =	ssub.s32 @!p0 $0x0, s1;
	[sflag:s0] =	ssyncset.done @!p0 $0x0  }
0x13d: {  	[sflag:s0] =	ssyncadd.s32 @!p0 s1  }
0x13e: {  	[bflag:$0x3] =	sbarrier.arrive $0xFFFF  }
0x13f: {  	_ =	shalt  }

</sc_bundles>
